<compile_context>
chip_gen: v7x
topology: tpu7x:2x2x1
jax: 0.10.2.dev20260603
libtpu: 0.0.44.dev20260713+nightly
codegen_flags: <defaults>
</compile_context>

<pallas_src>
import functools

import jax
import jax.numpy as jnp
from jax import lax
from jax.experimental import pallas as pl
from jax.experimental.pallas import tpu as pltpu
from jax.experimental.pallas import tpu_sc as plsc

N = 10000
E = 320000
D = 128
K = 5
ITERS = 25

NPAD = 10240
DUMP = NPAD - 1
NC, NS, L = 2, 16, 16
NW = NC * NS
CH = 128
NCHUNK = 79
EPT = NCHUNK * CH
EP = EPT * NW
NODES_PER_TILE = NPAD // NS

NCHP = 80
GRP = 16
NGRP = NCHP // GRP
EPP = NW * NCHP * CH


def _sc_mesh():
    return plsc.VectorSubcoreMesh(core_axis_name="c", subcore_axis_name="s")


_SC_PARAMS = pltpu.CompilerParams(needs_layout_passes=False)


@functools.partial(
    pl.kernel,
    out_type=jax.ShapeDtypeStruct((NC, NPAD), jnp.float32),
    mesh=_sc_mesh(),
    scratch_types=[
        pltpu.VMEM((EPT,), jnp.int32),
        pltpu.VMEM((NPAD,), jnp.float32),
        pltpu.VMEM((NODES_PER_TILE,), jnp.float32),
        pltpu.VMEM((NODES_PER_TILE,), jnp.float32),
        pltpu.VMEM_SHARED((NS, NPAD), jnp.float32),
    ],
    compiler_params=_SC_PARAMS,
)
def _deg_sc(dst_hbm, out_hbm, dst_v, hist_v, acc_v, tmp_v, stage_sh):
    cid = lax.axis_index("c")
    sid = lax.axis_index("s")
    wid = cid * NS + sid
    zeros = jnp.zeros((L,), jnp.float32)
    ones = jnp.ones((L,), jnp.float32)

    def zero_body(i, _):
        hist_v[pl.ds(i * L, L)] = zeros
        return 0
    lax.fori_loop(0, NPAD // L, zero_body, 0)

    pltpu.sync_copy(dst_hbm.at[pl.ds(wid * EPT, EPT)], dst_v)

    def scat_body(i, _):
        idx = dst_v[pl.ds(i * L, L)]
        plsc.addupdate_scatter(hist_v, [idx], ones)
        return 0
    lax.fori_loop(0, EPT // L, scat_body, 0)

    pltpu.sync_copy(hist_v, stage_sh.at[sid])
    plsc.subcore_barrier()

    base = sid * NODES_PER_TILE
    def merge_zero(i, _):
        acc_v[pl.ds(i * L, L)] = zeros
        return 0
    lax.fori_loop(0, NODES_PER_TILE // L, merge_zero, 0)
    for t in range(NS):
        pltpu.sync_copy(stage_sh.at[t, pl.ds(base, NODES_PER_TILE)], tmp_v)
        def add_body(i, _):
            acc_v[pl.ds(i * L, L)] = acc_v[pl.ds(i * L, L)] + tmp_v[pl.ds(i * L, L)]
            return 0
        lax.fori_loop(0, NODES_PER_TILE // L, add_body, 0)
    pltpu.sync_copy(acc_v, out_hbm.at[cid, pl.ds(base, NODES_PER_TILE)])


def _degfix_body(p0_ref, p1_ref, x_ref, norm_ref, inv_ref, normx_ref):
    deg = p0_ref[...] + p1_ref[...] + 1.0
    nrm = jax.lax.rsqrt(deg)
    norm_ref[...] = nrm
    inv_ref[...] = 1.0 / deg
    normx_ref[...] = x_ref[...] * nrm


@jax.jit
def _deg_stage(dst, x_pad):
    partials = _deg_sc(dst)
    norm, inv, normx = pl.pallas_call(
        _degfix_body,
        out_shape=(
            jax.ShapeDtypeStruct((NPAD, 1), jnp.float32),
            jax.ShapeDtypeStruct((NPAD, 1), jnp.float32),
            jax.ShapeDtypeStruct((NPAD, D), jnp.float32),
        ),
    )(partials[0][:, None], partials[1][:, None], x_pad)
    return norm.reshape(NPAD), inv.reshape(NPAD), normx


@functools.partial(
    pl.kernel,
    out_type=jax.ShapeDtypeStruct((NC, NPAD, D), jnp.float32),
    mesh=_sc_mesh(),
    scratch_types=[
        pltpu.VMEM((NCHUNK, CH), jnp.int32),
        pltpu.VMEM((NCHUNK, CH), jnp.int32),
        pltpu.VMEM((CH, D), jnp.float32),
        pltpu.VMEM_SHARED((NPAD, D), jnp.float32),
        pltpu.SemaphoreType.DMA,
    ],
    compiler_params=_SC_PARAMS,
)
def _agg_sc(src_hbm, dst_hbm, nx_hbm, out_hbm,
            src_v, dst_v, rows_a, acc_sh, sem_a):
    cid = lax.axis_index("c")
    sid = lax.axis_index("s")
    wid = cid * NS + sid
    zeros = jnp.zeros((L,), jnp.float32)

    pltpu.sync_copy(src_hbm.at[wid], src_v)
    pltpu.sync_copy(dst_hbm.at[wid], dst_v)

    def z_rows(r, _):
        for v in range(D // L):
            rows_a[r, pl.ds(v * L, L)] = zeros
        return 0
    lax.fori_loop(0, CH, z_rows, 0)
    base = sid * NODES_PER_TILE
    for b in range(NODES_PER_TILE // CH):
        pltpu.sync_copy(rows_a, acc_sh.at[pl.ds(base + b * CH, CH)])
    plsc.subcore_barrier()

    def chunk_body(j, _):
        pltpu.async_copy(nx_hbm.at[src_v.at[j]], rows_a, sem_a).wait()
        pltpu.sync_copy(rows_a, acc_sh.at[dst_v.at[j]], add=True)
        return 0
    lax.fori_loop(0, NCHUNK, chunk_body, 0)

    plsc.subcore_barrier()
    pltpu.sync_copy(acc_sh.at[pl.ds(base, NODES_PER_TILE)],
                    out_hbm.at[cid, pl.ds(base, NODES_PER_TILE)])


ROWS_BLK = 1280


def _enc_body(p0_ref, p1_ref, x_ref, norm_ref, inv_ref, w_ref, b_ref,
              abs_ref, kn_ref, qn_ref):
    i = pl.program_id(0)
    xagg = (norm_ref[...] * (p0_ref[...] + p1_ref[...])
            + x_ref[...] * inv_ref[...])
    y = jax.lax.dot_general(xagg, w_ref[...], (((1,), (0,)), ((), ())),
                            preferred_element_type=jnp.float32) + b_ref[...]
    ab, kk, qq = y[:, :D], y[:, D:2 * D], y[:, 2 * D:]
    row = jax.lax.broadcasted_iota(jnp.int32, (ROWS_BLK, 1), 0) + i * ROWS_BLK
    valid = row < N
    nk = jnp.sqrt(jnp.sum(kk * kk, axis=1, keepdims=True))
    nq = jnp.sqrt(jnp.sum(qq * qq, axis=1, keepdims=True))
    kn = jnp.where(valid, kk / jnp.maximum(nk, 1e-8), 0.0)
    qn = jnp.where(valid, qq / jnp.maximum(nq, 1e-8), 0.0)
    abs_ref[...] = ab
    kn_ref[...] = kn
    qn_ref[...] = qn


@jax.jit
def _encode(p, x_pad, norm_full, inv_full, wcat, bcat):
    grid = NPAD // ROWS_BLK
    blk = lambda i: (i, 0)
    return pl.pallas_call(
        _enc_body,
        grid=(grid,),
        in_specs=[
            pl.BlockSpec((ROWS_BLK, D), blk),
            pl.BlockSpec((ROWS_BLK, D), blk),
            pl.BlockSpec((ROWS_BLK, D), blk),
            pl.BlockSpec((ROWS_BLK, 1), blk),
            pl.BlockSpec((ROWS_BLK, 1), blk),
            pl.BlockSpec((D, 3 * D), lambda i: (0, 0)),
            pl.BlockSpec((1, 3 * D), lambda i: (0, 0)),
        ],
        out_specs=[
            pl.BlockSpec((ROWS_BLK, D), blk),
            pl.BlockSpec((ROWS_BLK, D), blk),
            pl.BlockSpec((ROWS_BLK, D), blk),
        ],
        out_shape=[
            jax.ShapeDtypeStruct((NPAD, D), jnp.float32),
            jax.ShapeDtypeStruct((NPAD, D), jnp.float32),
            jax.ShapeDtypeStruct((NPAD, D), jnp.float32),
        ],
    )(p[0], p[1], x_pad, norm_full[:, None], inv_full[:, None], wcat,
      bcat[None, :])


@functools.partial(
    pl.kernel,
    out_type=(
        jax.ShapeDtypeStruct((NW, NCHUNK, CH), jnp.float32),
        jax.ShapeDtypeStruct((NC, NPAD), jnp.float32),
    ),
    mesh=_sc_mesh(),
    scratch_types=[
        pltpu.VMEM((NCHUNK, CH), jnp.int32),
        pltpu.VMEM((NCHUNK, CH), jnp.int32),
        pltpu.VMEM((NCHUNK, CH), jnp.float32),
        pltpu.VMEM((NPAD,), jnp.float32),
        pltpu.VMEM((NODES_PER_TILE,), jnp.float32),
        pltpu.VMEM((CH, D), jnp.float32),
        pltpu.VMEM((CH, D), jnp.float32),
        pltpu.VMEM_SHARED((NS, NPAD), jnp.float32),
        pltpu.SemaphoreType.DMA,
        pltpu.SemaphoreType.DMA,
    ],
    compiler_params=_SC_PARAMS,
)
def _cos_sc(src_hbm, dst_hbm, kn_hbm, qn_hbm, cos_hbm, m_hbm,
            src_v, dst_v, cos_v, m_v, tmp_v, rows_k, rows_q, stage_sh,
            sem_k, sem_q):
    cid = lax.axis_index("c")
    sid = lax.axis_index("s")
    wid = cid * NS + sid
    neg_inf = jnp.full((L,), -jnp.inf, jnp.float32)

    pltpu.sync_copy(src_hbm.at[wid], src_v)
    pltpu.sync_copy(dst_hbm.at[wid], dst_v)

    def minit(i, _):
        m_v[pl.ds(i * L, L)] = neg_inf
        return 0
    lax.fori_loop(0, NPAD // L, minit, 0)

    lane = lax.iota(jnp.int32, L)

    def chunk_body(j, _):
        ck = pltpu.async_copy(kn_hbm.at[src_v.at[j]], rows_k, sem_k)
        cq = pltpu.async_copy(qn_hbm.at[dst_v.at[j]], rows_q, sem_q)
        ck.wait()
        cq.wait()
        def group_body(t, _):
            ri = t * L + lane
            def col_body(v4, accs):
                out = []
                for u in range(4):
                    vb = jnp.full((L,), v4 * 4 + u, jnp.int32)
                    ka = plsc.load_gather(rows_k, [ri, vb])
                    qa = plsc.load_gather(rows_q, [ri, vb])
                    out.append(accs[u] + ka * qa)
                return tuple(out)
            z16 = jnp.zeros((L,), jnp.float32)
            a0, a1, a2, a3 = lax.fori_loop(0, D // 4, col_body,
                                           (z16, z16, z16, z16))
            dots = (a0 + a1) + (a2 + a3)
            cos_v[j, pl.ds(t * L, L)] = dots
            d16 = dst_v[j, pl.ds(t * L, L)]
            rank, _last = plsc.scan_count(d16)
            def round_body(k, _):
                mg = plsc.load_gather(m_v, [d16])
                mx = jnp.maximum(mg, dots)
                plsc.store_scatter(m_v, [d16], mx, mask=rank == k)
                return 0
            lax.fori_loop(0, L + 1, round_body, 0)
            return 0
        lax.fori_loop(0, CH // L, group_body, 0)
        return 0
    lax.fori_loop(0, NCHUNK, chunk_body, 0)

    pltpu.sync_copy(cos_v, cos_hbm.at[wid])
    pltpu.sync_copy(m_v, stage_sh.at[sid])
    plsc.subcore_barrier()

    base = sid * NODES_PER_TILE
    def mz(i, _):
        tmp_v[pl.ds(i * L, L)] = neg_inf
        return 0
    lax.fori_loop(0, NODES_PER_TILE // L, mz, 0)
    for t in range(NS):
        pltpu.sync_copy(stage_sh.at[t, pl.ds(base, NODES_PER_TILE)],
                        m_v.at[pl.ds(0, NODES_PER_TILE)])
        def mmax(i, _):
            sl = pl.ds(i * L, L)
            tmp_v[sl] = jnp.maximum(tmp_v[sl], m_v[sl])
            return 0
        lax.fori_loop(0, NODES_PER_TILE // L, mmax, 0)
    pltpu.sync_copy(tmp_v, m_hbm.at[cid, pl.ds(base, NODES_PER_TILE)])


@functools.partial(
    pl.kernel,
    out_type=jax.ShapeDtypeStruct((NW, NCHUNK, CH), jnp.float32),
    mesh=_sc_mesh(),
    scratch_types=[
        pltpu.VMEM((NCHUNK, CH), jnp.int32),
        pltpu.VMEM((NCHUNK, CH), jnp.float32),
        pltpu.VMEM((NPAD,), jnp.float32),
        pltpu.VMEM((NPAD,), jnp.float32),
    ],
    compiler_params=_SC_PARAMS,
)
def _w_sc(dst_hbm, cos_hbm, m_hbm, w_hbm, dst_v, w_v, m_v, tmp_v):
    cid = lax.axis_index("c")
    sid = lax.axis_index("s")
    wid = cid * NS + sid

    pltpu.sync_copy(dst_hbm.at[wid], dst_v)
    pltpu.sync_copy(cos_hbm.at[wid], w_v)
    pltpu.sync_copy(m_hbm.at[0], m_v)
    pltpu.sync_copy(m_hbm.at[1], tmp_v)

    def mmerge(i, _):
        sl = pl.ds(i * L, L)
        m_v[sl] = jnp.maximum(m_v[sl], tmp_v[sl])
        return 0
    lax.fori_loop(0, NPAD // L, mmerge, 0)

    def wchunk(j, _):
        def winner(t, _):
            sl = pl.ds(t * L, L)
            mg = plsc.load_gather(m_v, [dst_v[j, sl]])
            w_v[j, sl] = jnp.exp(w_v[j, sl] - mg)
            return 0
        return lax.fori_loop(0, CH // L, winner, 0)
    lax.fori_loop(0, NCHUNK, wchunk, 0)
    pltpu.sync_copy(w_v, w_hbm.at[wid])


def _make_prop_step(first):
    @functools.partial(
        pl.kernel,
        out_type=(
            jax.ShapeDtypeStruct((NC, NPAD, D), jnp.float32),
            jax.ShapeDtypeStruct((NC, NPAD, D), jnp.float32),
        ),
        mesh=_sc_mesh(),
        scratch_types=[
            pltpu.VMEM((GRP, CH), jnp.int32),
            pltpu.VMEM((GRP, CH), jnp.int32),
            pltpu.VMEM((GRP, CH), jnp.int32),
            pltpu.VMEM((GRP, CH), jnp.int32),
            pltpu.VMEM((GRP, CH), jnp.float32),
            pltpu.VMEM((GRP, CH), jnp.float32),
            pltpu.VMEM((CH, D), jnp.float32),
            pltpu.VMEM((CH, D), jnp.float32),
            pltpu.VMEM_SHARED((NPAD, D), jnp.float32),
            pltpu.SemaphoreType.DMA,
            pltpu.SemaphoreType.DMA,
            pltpu.SemaphoreType.DMA,
            pltpu.SemaphoreType.DMA,
            pltpu.SemaphoreType.DMA,
            pltpu.SemaphoreType.DMA,
        ],
        compiler_params=_SC_PARAMS,
    )
    def step(src_hbm, dst_hbm, w_hbm, hin_hbm, pout_hbm, htab_hbm,
             src0_v, src1_v, dst0_v, dst1_v, w0_v, w1_v, rows_a, rows_b,
             acc_sh, sem_a, sem_b, sem_i0, sem_i1, sem_wa, sem_wb):
        cid = lax.axis_index("c")
        sid = lax.axis_index("s")
        wid = cid * NS + sid
        base = sid * NODES_PER_TILE
        zeros = jnp.zeros((L,), jnp.float32)
        sbuf = (src0_v, src1_v)
        dbuf = (dst0_v, dst1_v)
        wbuf = (w0_v, w1_v)
        ibuf_sem = (sem_i0, sem_i1)
        htab = htab_hbm.at[cid]

        for b in range(NODES_PER_TILE // CH):
            sl = pl.ds(base + b * CH, CH)
            if first:
                pltpu.sync_copy(hin_hbm.at[sl], rows_a)
            else:
                pltpu.sync_copy(hin_hbm.at[0, sl], rows_a)
                pltpu.sync_copy(hin_hbm.at[1, sl], rows_b)
                def tanh_row(r, _):
                    for v in range(D // L):
                        cs = pl.ds(v * L, L)
                        s = rows_a[r, cs] + rows_b[r, cs]
                        e2 = jnp.exp(s * 2.0)
                        rows_a[r, cs] = 1.0 - 2.0 / (e2 + 1.0)
                    return 0
                lax.fori_loop(0, CH, tanh_row, 0)
            pltpu.sync_copy(rows_a, htab.at[sl])
        def z_rows(r, _):
            for v in range(D // L):
                rows_a[r, pl.ds(v * L, L)] = zeros
            return 0
        lax.fori_loop(0, CH, z_rows, 0)
        for b in range(NODES_PER_TILE // CH):
            pltpu.sync_copy(rows_a, acc_sh.at[pl.ds(base + b * CH, CH)])
        plsc.subcore_barrier()

        def issue_grp(g, b):
            gs = pl.ds(g * GRP, GRP)
            pltpu.async_copy(src_hbm.at[wid, gs], sbuf[b], ibuf_sem[b])
            pltpu.async_copy(dst_hbm.at[wid, gs], dbuf[b], ibuf_sem[b])
            pltpu.async_copy(w_hbm.at[wid, gs], wbuf[b], ibuf_sem[b])

        def wait_grp(g, b):
            gs = pl.ds(g * GRP, GRP)
            pltpu.make_async_copy(src_hbm.at[wid, gs], sbuf[b],
                                  ibuf_sem[b]).wait()
            pltpu.make_async_copy(dst_hbm.at[wid, gs], dbuf[b],
                                  ibuf_sem[b]).wait()
            pltpu.make_async_copy(w_hbm.at[wid, gs], wbuf[b],
                                  ibuf_sem[b]).wait()

        def scale(wv, rows, jj):
            jb = jnp.full((L,), jj, jnp.int32)
            def scale4(ei, _):
                for u in range(4):
                    e = ei * 4 + u
                    wb = plsc.load_gather(
                        wv, [jb, jnp.full((L,), e, jnp.int32)])
                    for v in range(D // L):
                        sl = pl.ds(v * L, L)
                        rows[e, sl] = rows[e, sl] * wb
                return 0
            lax.fori_loop(0, CH // 4, scale4, 0)

        issue_grp(0, 0)
        for g in range(NGRP):
            b = g % 2
            sv, dv, wv = sbuf[b], dbuf[b], wbuf[b]
            wait_grp(g, b)
            if g + 1 < NGRP:
                issue_grp(g + 1, 1 - b)
            pltpu.async_copy(htab.at[sv.at[0]], rows_a, sem_a)
            def pair_body(p, _):
                j0 = 2 * p
                @pl.when(j0 >= 1)
                def _():
                    pltpu.make_async_copy(rows_b, acc_sh.at[dv.at[j0 - 1]],
                                          sem_wb).wait()
                pltpu.async_copy(htab.at[sv.at[j0 + 1]], rows_b, sem_b)
                pltpu.make_async_copy(htab.at[sv.at[j0]], rows_a,
                                      sem_a).wait()
                scale(wv, rows_a, j0)
                pltpu.async_copy(rows_a, acc_sh.at[dv.at[j0]], sem_wa,
                                 add=True)
                pltpu.make_async_copy(htab.at[sv.at[j0 + 1]], rows_b,
                                      sem_b).wait()
                scale(wv, rows_b, j0 + 1)
                pltpu.async_copy(rows_b, acc_sh.at[dv.at[j0 + 1]], sem_wb,
                                 add=True)
                pltpu.make_async_copy(rows_a, acc_sh.at[dv.at[j0]],
                                      sem_wa).wait()
                @pl.when(p < GRP // 2 - 1)
                def _():
                    pltpu.async_copy(htab.at[sv.at[j0 + 2]], rows_a, sem_a)
                return 0
            lax.fori_loop(0, GRP // 2, pair_body, 0)
            pltpu.make_async_copy(rows_b, acc_sh.at[dv.at[GRP - 1]],
                                  sem_wb).wait()
        plsc.subcore_barrier()
        pltpu.sync_copy(acc_sh.at[pl.ds(base, NODES_PER_TILE)],
                        pout_hbm.at[cid, pl.ds(base, NODES_PER_TILE)])
    return step


_prop_first = _make_prop_step(True)
_prop_next = _make_prop_step(False)


def _tail_body(p0_ref, p1_ref, abs_ref, nf_ref, ns_ref, masks_ref, h_ref):
    h_ref[...] = jnp.tanh(p0_ref[...] + p1_ref[...])
    h = h_ref[...]
    ab = abs_ref[...]
    s2 = jnp.sum(h * h, axis=1)
    iota = jax.lax.broadcasted_iota(jnp.int32, (N,), 0)
    seeds = []
    for _ in range(K):
        i = jnp.argmax(s2)
        seeds.append(h_ref[pl.ds(i, 1), :])
        s2 = jnp.where(iota == i, -jnp.inf, s2)
    seeds = jnp.concatenate(seeds, axis=0)
    logits = jax.lax.dot_general(seeds, h, (((1,), (1,)), ((), ())),
                                 preferred_element_type=jnp.float32)
    logits = logits * (1.0 / jnp.sqrt(jnp.float32(D)))
    m = jnp.max(logits, axis=1, keepdims=True)
    e = jnp.exp(logits - m)
    s = jnp.sum(e, axis=1, keepdims=True)
    masks = e / s
    masks_ref[...] = masks
    nf_ref[...] = jax.lax.dot_general(masks, ab, (((1,), (0,)), ((), ())),
                                      preferred_element_type=jnp.float32)
    ns_ref[...] = jnp.max(masks, axis=1)


@jax.jit
def _tail(p0, p1, abstract):
    nf, ns, masks, _h = pl.pallas_call(
        _tail_body,
        out_shape=(
            jax.ShapeDtypeStruct((K, D), jnp.float32),
            jax.ShapeDtypeStruct((K,), jnp.float32),
            jax.ShapeDtypeStruct((K, N), jnp.float32),
            jax.ShapeDtypeStruct((N, D), jnp.float32),
        ),
    )(p0, p1, abstract)
    return nf, ns, masks


def kernel(x, edge_index, init_state, Wg, bg, Wk, bk, Wq, bq):
    src = edge_index[0]
    dst = edge_index[1]
    pad = EP - E
    src_p = jnp.concatenate([src, jnp.zeros((pad,), jnp.int32)])
    dst_p = jnp.concatenate([dst, jnp.full((pad,), DUMP, jnp.int32)])
    src3 = src_p.reshape(NW, NCHUNK, CH)
    dst3 = dst_p.reshape(NW, NCHUNK, CH)
    x_pad = jnp.concatenate([x, jnp.zeros((NPAD - N, D), jnp.float32)])
    h0_pad = jnp.concatenate([init_state,
                              jnp.zeros((NPAD - N, D), jnp.float32)])
    wcat = jnp.concatenate([Wg, Wk, Wq], axis=1)
    bcat = jnp.concatenate([bg, bk, bq])

    norm_full, inv_full, normx = _deg_stage(dst_p, x_pad)
    partials = _agg_sc(src3, dst3, normx)
    abstract, kn, qn = _encode(partials, x_pad, norm_full, inv_full, wcat,
                               bcat)
    cos3, m_part = _cos_sc(src3, dst3, kn, qn)
    w3 = _w_sc(dst3, cos3, m_part)

    pad2 = EPP - EP
    src_pp = jnp.concatenate([src_p, jnp.zeros((pad2,), jnp.int32)])
    dst_pp = jnp.concatenate([dst_p, jnp.full((pad2,), DUMP, jnp.int32)])
    w_pp = jnp.concatenate([w3.reshape(EP), jnp.zeros((pad2,), jnp.float32)])
    src4 = src_pp.reshape(NW, NCHP, CH)
    dst4 = dst_pp.reshape(NW, NCHP, CH)
    w4 = w_pp.reshape(NW, NCHP, CH)
    p, _ht = _prop_first(src4, dst4, w4, h0_pad)
    for _ in range(ITERS - 1):
        p, _ht = _prop_next(src4, dst4, w4, p)
    return _tail(p[0][:N], p[1][:N], abstract[:N])

# --- scband reference (transcript-rebuilt; emitter-appended) ---
"""Pipeline reference for scband-construct-quarter-15934328668773 (READ-ONLY COPY).

The authoritative reference and input builder live on the scoring server;
editing this copy changes nothing except your own understanding.
"""

import jax, jax.numpy as jnp
import numpy as np

N_NODES = 10000
N_EDGES = 320000
D = 128
K_NODES = 5
PROP_ITERS = 25


def _gcn(x, src, dst, W, b, n):
    deg = jax.ops.segment_sum(jnp.ones_like(src, dtype=x.dtype), dst, num_segments=n) + 1.0
    norm = jax.lax.rsqrt(deg)
    coef = (norm[src] * norm[dst])[:, None]
    msg = x[src] * coef
    agg = jax.ops.segment_sum(msg, dst, num_segments=n) + x * (1.0 / deg)[:, None]
    return agg @ W + b


def setup_inputs(seed: int = 0) -> dict:
    key = jax.random.key(seed)
    ks = jax.random.split(key, 10)
    x = jax.random.normal(ks[0], (N_NODES, D), dtype=jnp.float32)
    edge_index = jax.random.randint(ks[1], (2, N_EDGES), 0, N_NODES, dtype=jnp.int32)
    init_state = jax.random.normal(ks[2], (N_NODES, D), dtype=jnp.float32)
    s = 1.0 / np.sqrt(D)
    Wg = jax.random.normal(ks[3], (D, D), dtype=jnp.float32) * s
    bg = jnp.zeros((D,), dtype=jnp.float32)
    Wk = jax.random.normal(ks[4], (D, D), dtype=jnp.float32) * s
    bk = jnp.zeros((D,), dtype=jnp.float32)
    Wq = jax.random.normal(ks[5], (D, D), dtype=jnp.float32) * s
    bq = jnp.zeros((D,), dtype=jnp.float32)
    return {"x": x, "edge_index": edge_index, "init_state": init_state,
            "Wg": Wg, "bg": bg, "Wk": Wk, "bk": bk, "Wq": Wq, "bq": bq}


def reference(x, edge_index, init_state, Wg, bg, Wk, bk, Wq, bq):
    n = x.shape[0]
    src = edge_index[0]
    dst = edge_index[1]
    # GCN encoders
    abstract = _gcn(x, src, dst, Wg, bg, n)
    dec_k = _gcn(x, src, dst, Wk, bk, n)
    dec_q = _gcn(x, src, dst, Wq, bq, n)
    # cosine similarity along edges (torch.cosine_similarity semantics, eps=1e-8)
    a = dec_k[src]
    b = dec_q[dst]
    num = jnp.sum(a * b, axis=-1)
    na = jnp.sqrt(jnp.sum(a * a, axis=-1))
    nb = jnp.sqrt(jnp.sum(b * b, axis=-1))
    cos = num / jnp.maximum(na * nb, 1e-8)
    # scatter_softmax over destination nodes
    m = jax.ops.segment_max(cos, dst, num_segments=n)
    e = jnp.exp(cos - m[dst])
    s = jax.ops.segment_sum(e, dst, num_segments=n)
    sm = e / s[dst]
    # normalize by per-destination max (scatter max)
    wmax = jax.ops.segment_max(sm, dst, num_segments=n)
    w = sm / wmax[dst]
    # graph propagation from random init state (25 iterations of weighted aggregation)
    h = init_state
    for _ in range(PROP_ITERS):
        agg = jax.ops.segment_sum(w[:, None] * h[src], dst, num_segments=n)
        h = jnp.tanh(agg)
    # node (mask) extraction: top-k seed nodes by propagated-feature norm, soft masks over all nodes
    scores = jnp.sqrt(jnp.sum(h * h, axis=-1))
    _, idx = jax.lax.top_k(scores, K_NODES)
    seeds = h[idx]
    logits = (seeds @ h.T) / jnp.sqrt(jnp.float32(D))
    masks = jax.nn.softmax(logits, axis=-1)  # [K, N]
    node_features = jnp.einsum('nd,mn->md', abstract, masks)
    node_scores = jnp.max(masks, axis=-1)
    return node_features, node_scores, masks

if __name__ == "__main__":
    import jax
    _d = setup_inputs()
    print(jax.jit(kernel)(*tuple(_d.values())))

</pallas_src>

<mosaic_0001>
#map = affine_map<(d0, d1) -> (0)>
#map1 = affine_map<(d0, d1) -> (0, 0)>
module attributes {stable_mosaic.version = 14 : i64} {
  func.func @_deg_sc(%arg0: i32, %arg1: i32, %arg2: memref<323584xi32, #tpu.memory_space<hbm>>, %arg3: memref<2x10240xf32, #tpu.memory_space<hbm>>, %arg4: memref<10112xi32, #tpu.memory_space<vmem>>, %arg5: memref<10240xf32, #tpu.memory_space<vmem>>, %arg6: memref<640xf32, #tpu.memory_space<vmem>>, %arg7: memref<640xf32, #tpu.memory_space<vmem>>, %arg8: memref<16x10240xf32, #tpu.memory_space<vmem_shared>>) attributes {dimension_semantics = [#tpu.dimension_semantics<core_parallel>, #tpu.dimension_semantics<subcore_parallel>], iteration_bounds = array<i64: 2, 16>, scalar_prefetch = 0 : i64, scratch_operands = 5 : i64, tpu.core_type = #tpu.core_type<sc_vector_subcore>, window_params = [{transform_indices = #map}, {transform_indices = #map1}]} {
    %mul3A = arith.constant 16 : i32
    %mul3A_0 = arith.muli %arg0, %mul3A : i32
    %add3A = arith.addi %mul3A_0, %arg1 : i32
    %broadcast_in_dim3A = arith.constant 0.000000e+00 : f32
    %broadcast_in_dim3A_1 = vector.broadcast %broadcast_in_dim3A : f32 to vector<16xf32>
    %broadcast_in_dim3A_2 = arith.constant 1.000000e+00 : f32
    %broadcast_in_dim3A_3 = vector.broadcast %broadcast_in_dim3A_2 : f32 to vector<16xf32>
    %scan3A = arith.constant 0 : i32
    %scan3A_4 = arith.constant 0 : i32
    %scan3A_5 = arith.constant 640 : i32
    %scan3A_6 = arith.addi %scan3A_4, %scan3A_5 : i32
    %scan3A_7 = arith.constant 1 : i32
    %scan3A_8 = scf.for %scan3A_155 = %scan3A_4 to %scan3A_6 step %scan3A_7 iter_args(%scan3A_156 = %scan3A) -> (i32)  : i32 {
      %mul3A_157 = arith.constant 16 : i32
      %mul3A_158 = arith.muli %scan3A_155, %mul3A_157 : i32
      %swap3A = arith.index_cast %mul3A_158 : i32 to index
      %swap3A_159 = tpu.vector_load %arg5[%swap3A] {strides = array<i32>} : memref<10240xf32, #tpu.memory_space<vmem>>, vector<16xf32>,
      tpu.vector_store %arg5[%swap3A], %broadcast_in_dim3A_1 {strides = array<i32>} : memref<10240xf32, #tpu.memory_space<vmem>>, vector<16xf32>,
      %scan3A_160 = arith.constant 0 : i32
      scf.yield %scan3A_160 : i32
    }
    %scan3A_9 = arith.constant 640 : i32
    %mul3A_10 = arith.constant 10112 : i32
    %mul3A_11 = arith.muli %add3A, %mul3A_10 : i32
    "tpu.region"() ({
      %run_scoped3A_155 = tpu.sem_alloc : memref<!tpu.dma_semaphore, #tpu.memory_space<semaphore_mem>>
      %dma_start3A = tpu.memref_slice %arg2[%mul3A_11] : memref<323584xi32, #tpu.memory_space<hbm>> -> memref<10112xi32, #tpu.memory_space<hbm>>
      %dma_start3A_156 = tpu.memref_slice %arg2[%mul3A_11] : memref<323584xi32, #tpu.memory_space<hbm>> -> memref<10112xi32, #tpu.memory_space<hbm>>
      tpu.enqueue_dma source(%dma_start3A_156 : memref<10112xi32, #tpu.memory_space<hbm>>) target(%arg4 : memref<10112xi32, #tpu.memory_space<vmem>>) target_semaphore(%run_scoped3A_155 : memref<!tpu.dma_semaphore, #tpu.memory_space<semaphore_mem>>)
      %dma_wait3A = tpu.memref_slice %arg2[%mul3A_11] : memref<323584xi32, #tpu.memory_space<hbm>> -> memref<10112xi32, #tpu.memory_space<hbm>>
      %dma_wait3A_157 = tpu.memref_slice %arg2[%mul3A_11] : memref<323584xi32, #tpu.memory_space<hbm>> -> memref<10112xi32, #tpu.memory_space<hbm>>
      tpu.wait_dma2 semaphore(%run_scoped3A_155 : memref<!tpu.dma_semaphore, #tpu.memory_space<semaphore_mem>>) src(%dma_wait3A_157 : memref<10112xi32, #tpu.memory_space<hbm>>) dst(%arg4 : memref<10112xi32, #tpu.memory_space<vmem>>)
      tpu.yield
    }) : () -> ()
    %scan3A_12 = arith.constant 0 : i32
    %scan3A_13 = arith.constant 0 : i32
    %scan3A_14 = arith.constant 632 : i32
    %scan3A_15 = arith.addi %scan3A_13, %scan3A_14 : i32
    %scan3A_16 = arith.constant 1 : i32
    %scan3A_17 = scf.for %scan3A_155 = %scan3A_13 to %scan3A_15 step %scan3A_16 iter_args(%scan3A_156 = %scan3A_12) -> (i32)  : i32 {
      %mul3A_157 = arith.constant 16 : i32
      %mul3A_158 = arith.muli %scan3A_155, %mul3A_157 : i32
      %get3A = arith.index_cast %mul3A_158 : i32 to index
      %get3A_159 = tpu.vector_load %arg4[%get3A] {strides = array<i32>} : memref<10112xi32, #tpu.memory_space<vmem>>, vector<16xi32>,
      tpu.vector_store_idx %arg5[%get3A_159], %broadcast_in_dim3A_3 {add = true} : memref<10240xf32, #tpu.memory_space<vmem>>[vector<16xi32>], vector<16xf32>,
      %scan3A_160 = arith.constant 0 : i32
      scf.yield %scan3A_160 : i32
    }
    %scan3A_18 = arith.constant 632 : i32
    "tpu.region"() ({
      %run_scoped3A_155 = tpu.sem_alloc : memref<!tpu.dma_semaphore, #tpu.memory_space<semaphore_mem>>
      %dma_start3A = arith.constant 0 : i32
      %dma_start3A_156 = tpu.memref_slice %arg8[%arg1, %dma_start3A] : memref<16x10240xf32, #tpu.memory_space<vmem_shared>> -> memref<1x10240xf32, #tpu.memory_space<vmem_shared>>
      %dma_start3A_157 = tpu.memref_squeeze %dma_start3A_156 : memref<1x10240xf32, #tpu.memory_space<vmem_shared>> -> memref<10240xf32, #tpu.memory_space<vmem_shared>>
      %dma_start3A_158 = arith.constant 0 : i32
      %dma_start3A_159 = tpu.memref_slice %arg8[%arg1, %dma_start3A_158] : memref<16x10240xf32, #tpu.memory_space<vmem_shared>> -> memref<1x10240xf32, #tpu.memory_space<vmem_shared>>
      %dma_start3A_160 = tpu.memref_squeeze %dma_start3A_159 : memref<1x10240xf32, #tpu.memory_space<vmem_shared>> -> memref<10240xf32, #tpu.memory_space<vmem_shared>>
      tpu.enqueue_dma source(%arg5 : memref<10240xf32, #tpu.memory_space<vmem>>) target(%dma_start3A_160 : memref<10240xf32, #tpu.memory_space<vmem_shared>>) target_semaphore(%run_scoped3A_155 : memref<!tpu.dma_semaphore, #tpu.memory_space<semaphore_mem>>)
      %dma_wait3A = arith.constant 0 : i32
      %dma_wait3A_161 = tpu.memref_slice %arg8[%arg1, %dma_wait3A] : memref<16x10240xf32, #tpu.memory_space<vmem_shared>> -> memref<1x10240xf32, #tpu.memory_space<vmem_shared>>
      %dma_wait3A_162 = tpu.memref_squeeze %dma_wait3A_161 : memref<1x10240xf32, #tpu.memory_space<vmem_shared>> -> memref<10240xf32, #tpu.memory_space<vmem_shared>>
      %dma_wait3A_163 = arith.constant 0 : i32
      %dma_wait3A_164 = tpu.memref_slice %arg8[%arg1, %dma_wait3A_163] : memref<16x10240xf32, #tpu.memory_space<vmem_shared>> -> memref<1x10240xf32, #tpu.memory_space<vmem_shared>>
      %dma_wait3A_165 = tpu.memref_squeeze %dma_wait3A_164 : memref<1x10240xf32, #tpu.memory_space<vmem_shared>> -> memref<10240xf32, #tpu.memory_space<vmem_shared>>
      tpu.wait_dma2 semaphore(%run_scoped3A_155 : memref<!tpu.dma_semaphore, #tpu.memory_space<semaphore_mem>>) src(%arg5 : memref<10240xf32, #tpu.memory_space<vmem>>) dst(%dma_wait3A_165 : memref<10240xf32, #tpu.memory_space<vmem_shared>>)
      tpu.yield
    }) : () -> ()
    %barrier3A = arith.constant 0 : index
    tpu.barrier barrier_id(%barrier3A)
    %mul3A_19 = arith.constant 640 : i32
    %mul3A_20 = arith.muli %arg1, %mul3A_19 : i32
    %scan3A_21 = arith.constant 0 : i32
    %scan3A_22 = arith.constant 0 : i32
    %scan3A_23 = arith.constant 40 : i32
    %scan3A_24 = arith.addi %scan3A_22, %scan3A_23 : i32
    %scan3A_25 = arith.constant 1 : i32
    %scan3A_26 = scf.for %scan3A_155 = %scan3A_22 to %scan3A_24 step %scan3A_25 iter_args(%scan3A_156 = %scan3A_21) -> (i32)  : i32 {
      %mul3A_157 = arith.constant 16 : i32
      %mul3A_158 = arith.muli %scan3A_155, %mul3A_157 : i32
      %swap3A = arith.index_cast %mul3A_158 : i32 to index
      %swap3A_159 = tpu.vector_load %arg6[%swap3A] {strides = array<i32>} : memref<640xf32, #tpu.memory_space<vmem>>, vector<16xf32>,
      tpu.vector_store %arg6[%swap3A], %broadcast_in_dim3A_1 {strides = array<i32>} : memref<640xf32, #tpu.memory_space<vmem>>, vector<16xf32>,
      %scan3A_160 = arith.constant 0 : i32
      scf.yield %scan3A_160 : i32
    }
    %scan3A_27 = arith.constant 40 : i32
    %run_scoped3A = arith.constant 0 : i32
    "tpu.region"() ({
      %run_scoped3A_155 = tpu.sem_alloc : memref<!tpu.dma_semaphore, #tpu.memory_space<semaphore_mem>>
      %dma_start3A = tpu.memref_slice %arg8[%run_scoped3A, %mul3A_20] : memref<16x10240xf32, #tpu.memory_space<vmem_shared>> -> memref<1x640xf32, #tpu.memory_space<vmem_shared>>
      %dma_start3A_156 = tpu.memref_squeeze %dma_start3A : memref<1x640xf32, #tpu.memory_space<vmem_shared>> -> memref<640xf32, #tpu.memory_space<vmem_shared>>
      %dma_start3A_157 = tpu.memref_slice %arg8[%run_scoped3A, %mul3A_20] : memref<16x10240xf32, #tpu.memory_space<vmem_shared>> -> memref<1x640xf32, #tpu.memory_space<vmem_shared>>
      %dma_start3A_158 = tpu.memref_squeeze %dma_start3A_157 : memref<1x640xf32, #tpu.memory_space<vmem_shared>> -> memref<640xf32, #tpu.memory_space<vmem_shared>>
      tpu.enqueue_dma source(%dma_start3A_158 : memref<640xf32, #tpu.memory_space<vmem_shared>>) target(%arg7 : memref<640xf32, #tpu.memory_space<vmem>>) target_semaphore(%run_scoped3A_155 : memref<!tpu.dma_semaphore, #tpu.memory_space<semaphore_mem>>)
      %dma_wait3A = tpu.memref_slice %arg8[%run_scoped3A, %mul3A_20] : memref<16x10240xf32, #tpu.memory_space<vmem_shared>> -> memref<1x640xf32, #tpu.memory_space<vmem_shared>>
      %dma_wait3A_159 = tpu.memref_squeeze %dma_wait3A : memref<1x640xf32, #tpu.memory_space<vmem_shared>> -> memref<640xf32, #tpu.memory_space<vmem_shared>>
      %dma_wait3A_160 = tpu.memref_slice %arg8[%run_scoped3A, %mul3A_20] : memref<16x10240xf32, #tpu.memory_space<vmem_shared>> -> memref<1x640xf32, #tpu.memory_space<vmem_shared>>
      %dma_wait3A_161 = tpu.memref_squeeze %dma_wait3A_160 : memref<1x640xf32, #tpu.memory_space<vmem_shared>> -> memref<640xf32, #tpu.memory_space<vmem_shared>>
      tpu.wait_dma2 semaphore(%run_scoped3A_155 : memref<!tpu.dma_semaphore, #tpu.memory_space<semaphore_mem>>) src(%dma_wait3A_161 : memref<640xf32, #tpu.memory_space<vmem_shared>>) dst(%arg7 : memref<640xf32, #tpu.memory_space<vmem>>)
      tpu.yield
    }) : () -> ()
    %scan3A_28 = arith.constant 0 : i32
    %scan3A_29 = arith.constant 0 : i32
    %scan3A_30 = arith.constant 40 : i32
    %scan3A_31 = arith.addi %scan3A_29, %scan3A_30 : i32
    %scan3A_32 = arith.constant 1 : i32
    %scan3A_33 = scf.for %scan3A_155 = %scan3A_29 to %scan3A_31 step %scan3A_32 iter_args(%scan3A_156 = %scan3A_28) -> (i32)  : i32 {
      %mul3A_157 = arith.constant 16 : i32
      %mul3A_158 = arith.muli %scan3A_155, %mul3A_157 : i32
      %get3A = arith.index_cast %mul3A_158 : i32 to index
      %get3A_159 = tpu.vector_load %arg6[%get3A] {strides = array<i32>} : memref<640xf32, #tpu.memory_space<vmem>>, vector<16xf32>,
      %mul3A_160 = arith.constant 16 : i32
      %mul3A_161 = arith.muli %scan3A_155, %mul3A_160 : i32
      %get3A_162 = arith.index_cast %mul3A_161 : i32 to index
      %get3A_163 = tpu.vector_load %arg7[%get3A_162] {strides = array<i32>} : memref<640xf32, #tpu.memory_space<vmem>>, vector<16xf32>,
      %add3A_164 = arith.addf %get3A_159, %get3A_163 : vector<16xf32>
      %mul3A_165 = arith.constant 16 : i32
      %mul3A_166 = arith.muli %scan3A_155, %mul3A_165 : i32
      %swap3A = arith.index_cast %mul3A_166 : i32 to index
      %swap3A_167 = tpu.vector_load %arg6[%swap3A] {strides = array<i32>} : memref<640xf32, #tpu.memory_space<vmem>>, vector<16xf32>,
      tpu.vector_store %arg6[%swap3A], %add3A_164 {strides = array<i32>} : memref<640xf32, #tpu.memory_space<vmem>>, vector<16xf32>,
      %scan3A_168 = arith.constant 0 : i32
      scf.yield %scan3A_168 : i32
    }
    %scan3A_34 = arith.constant 40 : i32
    %run_scoped3A_35 = arith.constant 1 : i32
    "tpu.region"() ({
      %run_scoped3A_155 = tpu.sem_alloc : memref<!tpu.dma_semaphore, #tpu.memory_space<semaphore_mem>>
      %dma_start3A = tpu.memref_slice %arg8[%run_scoped3A_35, %mul3A_20] : memref<16x10240xf32, #tpu.memory_space<vmem_shared>> -> memref<1x640xf32, #tpu.memory_space<vmem_shared>>
      %dma_start3A_156 = tpu.memref_squeeze %dma_start3A : memref<1x640xf32, #tpu.memory_space<vmem_shared>> -> memref<640xf32, #tpu.memory_space<vmem_shared>>
      %dma_start3A_157 = tpu.memref_slice %arg8[%run_scoped3A_35, %mul3A_20] : memref<16x10240xf32, #tpu.memory_space<vmem_shared>> -> memref<1x640xf32, #tpu.memory_space<vmem_shared>>
      %dma_start3A_158 = tpu.memref_squeeze %dma_start3A_157 : memref<1x640xf32, #tpu.memory_space<vmem_shared>> -> memref<640xf32, #tpu.memory_space<vmem_shared>>
      tpu.enqueue_dma source(%dma_start3A_158 : memref<640xf32, #tpu.memory_space<vmem_shared>>) target(%arg7 : memref<640xf32, #tpu.memory_space<vmem>>) target_semaphore(%run_scoped3A_155 : memref<!tpu.dma_semaphore, #tpu.memory_space<semaphore_mem>>)
      %dma_wait3A = tpu.memref_slice %arg8[%run_scoped3A_35, %mul3A_20] : memref<16x10240xf32, #tpu.memory_space<vmem_shared>> -> memref<1x640xf32, #tpu.memory_space<vmem_shared>>
      %dma_wait3A_159 = tpu.memref_squeeze %dma_wait3A : memref<1x640xf32, #tpu.memory_space<vmem_shared>> -> memref<640xf32, #tpu.memory_space<vmem_shared>>
      %dma_wait3A_160 = tpu.memref_slice %arg8[%run_scoped3A_35, %mul3A_20] : memref<16x10240xf32, #tpu.memory_space<vmem_shared>> -> memref<1x640xf32, #tpu.memory_space<vmem_shared>>
      %dma_wait3A_161 = tpu.memref_squeeze %dma_wait3A_160 : memref<1x640xf32, #tpu.memory_space<vmem_shared>> -> memref<640xf32, #tpu.memory_space<vmem_shared>>
      tpu.wait_dma2 semaphore(%run_scoped3A_155 : memref<!tpu.dma_semaphore, #tpu.memory_space<semaphore_mem>>) src(%dma_wait3A_161 : memref<640xf32, #tpu.memory_space<vmem_shared>>) dst(%arg7 : memref<640xf32, #tpu.memory_space<vmem>>)
      tpu.yield
    }) : () -> ()
    %scan3A_36 = arith.constant 0 : i32
    %scan3A_37 = arith.constant 0 : i32
    %scan3A_38 = arith.constant 40 : i32
    %scan3A_39 = arith.addi %scan3A_37, %scan3A_38 : i32
    %scan3A_40 = arith.constant 1 : i32
    %scan3A_41 = scf.for %scan3A_155 = %scan3A_37 to %scan3A_39 step %scan3A_40 iter_args(%scan3A_156 = %scan3A_36) -> (i32)  : i32 {
      %mul3A_157 = arith.constant 16 : i32
      %mul3A_158 = arith.muli %scan3A_155, %mul3A_157 : i32
      %get3A = arith.index_cast %mul3A_158 : i32 to index
      %get3A_159 = tpu.vector_load %arg6[%get3A] {strides = array<i32>} : memref<640xf32, #tpu.memory_space<vmem>>, vector<16xf32>,
      %mul3A_160 = arith.constant 16 : i32
      %mul3A_161 = arith.muli %scan3A_155, %mul3A_160 : i32
      %get3A_162 = arith.index_cast %mul3A_161 : i32 to index
      %get3A_163 = tpu.vector_load %arg7[%get3A_162] {strides = array<i32>} : memref<640xf32, #tpu.memory_space<vmem>>, vector<16xf32>,
      %add3A_164 = arith.addf %get3A_159, %get3A_163 : vector<16xf32>
      %mul3A_165 = arith.constant 16 : i32
      %mul3A_166 = arith.muli %scan3A_155, %mul3A_165 : i32
      %swap3A = arith.index_cast %mul3A_166 : i32 to index
      %swap3A_167 = tpu.vector_load %arg6[%swap3A] {strides = array<i32>} : memref<640xf32, #tpu.memory_space<vmem>>, vector<16xf32>,
      tpu.vector_store %arg6[%swap3A], %add3A_164 {strides = array<i32>} : memref<640xf32, #tpu.memory_space<vmem>>, vector<16xf32>,
      %scan3A_168 = arith.constant 0 : i32
      scf.yield %scan3A_168 : i32
    }
    %scan3A_42 = arith.constant 40 : i32
    %run_scoped3A_43 = arith.constant 2 : i32
    "tpu.region"() ({
      %run_scoped3A_155 = tpu.sem_alloc : memref<!tpu.dma_semaphore, #tpu.memory_space<semaphore_mem>>
      %dma_start3A = tpu.memref_slice %arg8[%run_scoped3A_43, %mul3A_20] : memref<16x10240xf32, #tpu.memory_space<vmem_shared>> -> memref<1x640xf32, #tpu.memory_space<vmem_shared>>
      %dma_start3A_156 = tpu.memref_squeeze %dma_start3A : memref<1x640xf32, #tpu.memory_space<vmem_shared>> -> memref<640xf32, #tpu.memory_space<vmem_shared>>
      %dma_start3A_157 = tpu.memref_slice %arg8[%run_scoped3A_43, %mul3A_20] : memref<16x10240xf32, #tpu.memory_space<vmem_shared>> -> memref<1x640xf32, #tpu.memory_space<vmem_shared>>
      %dma_start3A_158 = tpu.memref_squeeze %dma_start3A_157 : memref<1x640xf32, #tpu.memory_space<vmem_shared>> -> memref<640xf32, #tpu.memory_space<vmem_shared>>
      tpu.enqueue_dma source(%dma_start3A_158 : memref<640xf32, #tpu.memory_space<vmem_shared>>) target(%arg7 : memref<640xf32, #tpu.memory_space<vmem>>) target_semaphore(%run_scoped3A_155 : memref<!tpu.dma_semaphore, #tpu.memory_space<semaphore_mem>>)
      %dma_wait3A = tpu.memref_slice %arg8[%run_scoped3A_43, %mul3A_20] : memref<16x10240xf32, #tpu.memory_space<vmem_shared>> -> memref<1x640xf32, #tpu.memory_space<vmem_shared>>
      %dma_wait3A_159 = tpu.memref_squeeze %dma_wait3A : memref<1x640xf32, #tpu.memory_space<vmem_shared>> -> memref<640xf32, #tpu.memory_space<vmem_shared>>
      %dma_wait3A_160 = tpu.memref_slice %arg8[%run_scoped3A_43, %mul3A_20] : memref<16x10240xf32, #tpu.memory_space<vmem_shared>> -> memref<1x640xf32, #tpu.memory_space<vmem_shared>>
      %dma_wait3A_161 = tpu.memref_squeeze %dma_wait3A_160 : memref<1x640xf32, #tpu.memory_space<vmem_shared>> -> memref<640xf32, #tpu.memory_space<vmem_shared>>
      tpu.wait_dma2 semaphore(%run_scoped3A_155 : memref<!tpu.dma_semaphore, #tpu.memory_space<semaphore_mem>>) src(%dma_wait3A_161 : memref<640xf32, #tpu.memory_space<vmem_shared>>) dst(%arg7 : memref<640xf32, #tpu.memory_space<vmem>>)
      tpu.yield
    }) : () -> ()
    %scan3A_44 = arith.constant 0 : i32
    %scan3A_45 = arith.constant 0 : i32
    %scan3A_46 = arith.constant 40 : i32
    %scan3A_47 = arith.addi %scan3A_45, %scan3A_46 : i32
    %scan3A_48 = arith.constant 1 : i32
    %scan3A_49 = scf.for %scan3A_155 = %scan3A_45 to %scan3A_47 step %scan3A_48 iter_args(%scan3A_156 = %scan3A_44) -> (i32)  : i32 {
      %mul3A_157 = arith.constant 16 : i32
      %mul3A_158 = arith.muli %scan3A_155, %mul3A_157 : i32
      %get3A = arith.index_cast %mul3A_158 : i32 to index
      %get3A_159 = tpu.vector_load %arg6[%get3A] {strides = array<i32>} : memref<640xf32, #tpu.memory_space<vmem>>, vector<16xf32>,
      %mul3A_160 = arith.constant 16 : i32
      %mul3A_161 = arith.muli %scan3A_155, %mul3A_160 : i32
      %get3A_162 = arith.index_cast %mul3A_161 : i32 to index
      %get3A_163 = tpu.vector_load %arg7[%get3A_162] {strides = array<i32>} : memref<640xf32, #tpu.memory_space<vmem>>, vector<16xf32>,
      %add3A_164 = arith.addf %get3A_159, %get3A_163 : vector<16xf32>
      %mul3A_165 = arith.constant 16 : i32
      %mul3A_166 = arith.muli %scan3A_155, %mul3A_165 : i32
      %swap3A = arith.index_cast %mul3A_166 : i32 to index
      %swap3A_167 = tpu.vector_load %arg6[%swap3A] {strides = array<i32>} : memref<640xf32, #tpu.memory_space<vmem>>, vector<16xf32>,
      tpu.vector_store %arg6[%swap3A], %add3A_164 {strides = array<i32>} : memref<640xf32, #tpu.memory_space<vmem>>, vector<16xf32>,
      %scan3A_168 = arith.constant 0 : i32
      scf.yield %scan3A_168 : i32
    }
    %scan3A_50 = arith.constant 40 : i32
    %run_scoped3A_51 = arith.constant 3 : i32
    "tpu.region"() ({
      %run_scoped3A_155 = tpu.sem_alloc : memref<!tpu.dma_semaphore, #tpu.memory_space<semaphore_mem>>
      %dma_start3A = tpu.memref_slice %arg8[%run_scoped3A_51, %mul3A_20] : memref<16x10240xf32, #tpu.memory_space<vmem_shared>> -> memref<1x640xf32, #tpu.memory_space<vmem_shared>>
      %dma_start3A_156 = tpu.memref_squeeze %dma_start3A : memref<1x640xf32, #tpu.memory_space<vmem_shared>> -> memref<640xf32, #tpu.memory_space<vmem_shared>>
      %dma_start3A_157 = tpu.memref_slice %arg8[%run_scoped3A_51, %mul3A_20] : memref<16x10240xf32, #tpu.memory_space<vmem_shared>> -> memref<1x640xf32, #tpu.memory_space<vmem_shared>>
      %dma_start3A_158 = tpu.memref_squeeze %dma_start3A_157 : memref<1x640xf32, #tpu.memory_space<vmem_shared>> -> memref<640xf32, #tpu.memory_space<vmem_shared>>
      tpu.enqueue_dma source(%dma_start3A_158 : memref<640xf32, #tpu.memory_space<vmem_shared>>) target(%arg7 : memref<640xf32, #tpu.memory_space<vmem>>) target_semaphore(%run_scoped3A_155 : memref<!tpu.dma_semaphore, #tpu.memory_space<semaphore_mem>>)
      %dma_wait3A = tpu.memref_slice %arg8[%run_scoped3A_51, %mul3A_20] : memref<16x10240xf32, #tpu.memory_space<vmem_shared>> -> memref<1x640xf32, #tpu.memory_space<vmem_shared>>
      %dma_wait3A_159 = tpu.memref_squeeze %dma_wait3A : memref<1x640xf32, #tpu.memory_space<vmem_shared>> -> memref<640xf32, #tpu.memory_space<vmem_shared>>
      %dma_wait3A_160 = tpu.memref_slice %arg8[%run_scoped3A_51, %mul3A_20] : memref<16x10240xf32, #tpu.memory_space<vmem_shared>> -> memref<1x640xf32, #tpu.memory_space<vmem_shared>>
      %dma_wait3A_161 = tpu.memref_squeeze %dma_wait3A_160 : memref<1x640xf32, #tpu.memory_space<vmem_shared>> -> memref<640xf32, #tpu.memory_space<vmem_shared>>
      tpu.wait_dma2 semaphore(%run_scoped3A_155 : memref<!tpu.dma_semaphore, #tpu.memory_space<semaphore_mem>>) src(%dma_wait3A_161 : memref<640xf32, #tpu.memory_space<vmem_shared>>) dst(%arg7 : memref<640xf32, #tpu.memory_space<vmem>>)
      tpu.yield
    }) : () -> ()
    %scan3A_52 = arith.constant 0 : i32
    %scan3A_53 = arith.constant 0 : i32
    %scan3A_54 = arith.constant 40 : i32
    %scan3A_55 = arith.addi %scan3A_53, %scan3A_54 : i32
    %scan3A_56 = arith.constant 1 : i32
    %scan3A_57 = scf.for %scan3A_155 = %scan3A_53 to %scan3A_55 step %scan3A_56 iter_args(%scan3A_156 = %scan3A_52) -> (i32)  : i32 {
      %mul3A_157 = arith.constant 16 : i32
      %mul3A_158 = arith.muli %scan3A_155, %mul3A_157 : i32
      %get3A = arith.index_cast %mul3A_158 : i32 to index
      %get3A_159 = tpu.vector_load %arg6[%get3A] {strides = array<i32>} : memref<640xf32, #tpu.memory_space<vmem>>, vector<16xf32>,
      %mul3A_160 = arith.constant 16 : i32
      %mul3A_161 = arith.muli %scan3A_155, %mul3A_160 : i32
      %get3A_162 = arith.index_cast %mul3A_161 : i32 to index
      %get3A_163 = tpu.vector_load %arg7[%get3A_162] {strides = array<i32>} : memref<640xf32, #tpu.memory_space<vmem>>, vector<16xf32>,
      %add3A_164 = arith.addf %get3A_159, %get3A_163 : vector<16xf32>
      %mul3A_165 = arith.constant 16 : i32
      %mul3A_166 = arith.muli %scan3A_155, %mul3A_165 : i32
      %swap3A = arith.index_cast %mul3A_166 : i32 to index
      %swap3A_167 = tpu.vector_load %arg6[%swap3A] {strides = array<i32>} : memref<640xf32, #tpu.memory_space<vmem>>, vector<16xf32>,
      tpu.vector_store %arg6[%swap3A], %add3A_164 {strides = array<i32>} : memref<640xf32, #tpu.memory_space<vmem>>, vector<16xf32>,
      %scan3A_168 = arith.constant 0 : i32
      scf.yield %scan3A_168 : i32
    }
    %scan3A_58 = arith.constant 40 : i32
    %run_scoped3A_59 = arith.constant 4 : i32
    "tpu.region"() ({
      %run_scoped3A_155 = tpu.sem_alloc : memref<!tpu.dma_semaphore, #tpu.memory_space<semaphore_mem>>
      %dma_start3A = tpu.memref_slice %arg8[%run_scoped3A_59, %mul3A_20] : memref<16x10240xf32, #tpu.memory_space<vmem_shared>> -> memref<1x640xf32, #tpu.memory_space<vmem_shared>>
      %dma_start3A_156 = tpu.memref_squeeze %dma_start3A : memref<1x640xf32, #tpu.memory_space<vmem_shared>> -> memref<640xf32, #tpu.memory_space<vmem_shared>>
      %dma_start3A_157 = tpu.memref_slice %arg8[%run_scoped3A_59, %mul3A_20] : memref<16x10240xf32, #tpu.memory_space<vmem_shared>> -> memref<1x640xf32, #tpu.memory_space<vmem_shared>>
      %dma_start3A_158 = tpu.memref_squeeze %dma_start3A_157 : memref<1x640xf32, #tpu.memory_space<vmem_shared>> -> memref<640xf32, #tpu.memory_space<vmem_shared>>
      tpu.enqueue_dma source(%dma_start3A_158 : memref<640xf32, #tpu.memory_space<vmem_shared>>) target(%arg7 : memref<640xf32, #tpu.memory_space<vmem>>) target_semaphore(%run_scoped3A_155 : memref<!tpu.dma_semaphore, #tpu.memory_space<semaphore_mem>>)
      %dma_wait3A = tpu.memref_slice %arg8[%run_scoped3A_59, %mul3A_20] : memref<16x10240xf32, #tpu.memory_space<vmem_shared>> -> memref<1x640xf32, #tpu.memory_space<vmem_shared>>
      %dma_wait3A_159 = tpu.memref_squeeze %dma_wait3A : memref<1x640xf32, #tpu.memory_space<vmem_shared>> -> memref<640xf32, #tpu.memory_space<vmem_shared>>
      %dma_wait3A_160 = tpu.memref_slice %arg8[%run_scoped3A_59, %mul3A_20] : memref<16x10240xf32, #tpu.memory_space<vmem_shared>> -> memref<1x640xf32, #tpu.memory_space<vmem_shared>>
      %dma_wait3A_161 = tpu.memref_squeeze %dma_wait3A_160 : memref<1x640xf32, #tpu.memory_space<vmem_shared>> -> memref<640xf32, #tpu.memory_space<vmem_shared>>
      tpu.wait_dma2 semaphore(%run_scoped3A_155 : memref<!tpu.dma_semaphore, #tpu.memory_space<semaphore_mem>>) src(%dma_wait3A_161 : memref<640xf32, #tpu.memory_space<vmem_shared>>) dst(%arg7 : memref<640xf32, #tpu.memory_space<vmem>>)
      tpu.yield
    }) : () -> ()
    %scan3A_60 = arith.constant 0 : i32
    %scan3A_61 = arith.constant 0 : i32
    %scan3A_62 = arith.constant 40 : i32
    %scan3A_63 = arith.addi %scan3A_61, %scan3A_62 : i32
    %scan3A_64 = arith.constant 1 : i32
    %scan3A_65 = scf.for %scan3A_155 = %scan3A_61 to %scan3A_63 step %scan3A_64 iter_args(%scan3A_156 = %scan3A_60) -> (i32)  : i32 {
      %mul3A_157 = arith.constant 16 : i32
      %mul3A_158 = arith.muli %scan3A_155, %mul3A_157 : i32
      %get3A = arith.index_cast %mul3A_158 : i32 to index
      %get3A_159 = tpu.vector_load %arg6[%get3A] {strides = array<i32>} : memref<640xf32, #tpu.memory_space<vmem>>, vector<16xf32>,
      %mul3A_160 = arith.constant 16 : i32
      %mul3A_161 = arith.muli %scan3A_155, %mul3A_160 : i32
      %get3A_162 = arith.index_cast %mul3A_161 : i32 to index
      %get3A_163 = tpu.vector_load %arg7[%get3A_162] {strides = array<i32>} : memref<640xf32, #tpu.memory_space<vmem>>, vector<16xf32>,
      %add3A_164 = arith.addf %get3A_159, %get3A_163 : vector<16xf32>
      %mul3A_165 = arith.constant 16 : i32
      %mul3A_166 = arith.muli %scan3A_155, %mul3A_165 : i32
      %swap3A = arith.index_cast %mul3A_166 : i32 to index
      %swap3A_167 = tpu.vector_load %arg6[%swap3A] {strides = array<i32>} : memref<640xf32, #tpu.memory_space<vmem>>, vector<16xf32>,
      tpu.vector_store %arg6[%swap3A], %add3A_164 {strides = array<i32>} : memref<640xf32, #tpu.memory_space<vmem>>, vector<16xf32>,
      %scan3A_168 = arith.constant 0 : i32
      scf.yield %scan3A_168 : i32
    }
    %scan3A_66 = arith.constant 40 : i32
    %run_scoped3A_67 = arith.constant 5 : i32
    "tpu.region"() ({
      %run_scoped3A_155 = tpu.sem_alloc : memref<!tpu.dma_semaphore, #tpu.memory_space<semaphore_mem>>
      %dma_start3A = tpu.memref_slice %arg8[%run_scoped3A_67, %mul3A_20] : memref<16x10240xf32, #tpu.memory_space<vmem_shared>> -> memref<1x640xf32, #tpu.memory_space<vmem_shared>>
      %dma_start3A_156 = tpu.memref_squeeze %dma_start3A : memref<1x640xf32, #tpu.memory_space<vmem_shared>> -> memref<640xf32, #tpu.memory_space<vmem_shared>>
      %dma_start3A_157 = tpu.memref_slice %arg8[%run_scoped3A_67, %mul3A_20] : memref<16x10240xf32, #tpu.memory_space<vmem_shared>> -> memref<1x640xf32, #tpu.memory_space<vmem_shared>>
      %dma_start3A_158 = tpu.memref_squeeze %dma_start3A_157 : memref<1x640xf32, #tpu.memory_space<vmem_shared>> -> memref<640xf32, #tpu.memory_space<vmem_shared>>
      tpu.enqueue_dma source(%dma_start3A_158 : memref<640xf32, #tpu.memory_space<vmem_shared>>) target(%arg7 : memref<640xf32, #tpu.memory_space<vmem>>) target_semaphore(%run_scoped3A_155 : memref<!tpu.dma_semaphore, #tpu.memory_space<semaphore_mem>>)
      %dma_wait3A = tpu.memref_slice %arg8[%run_scoped3A_67, %mul3A_20] : memref<16x10240xf32, #tpu.memory_space<vmem_shared>> -> memref<1x640xf32, #tpu.memory_space<vmem_shared>>
      %dma_wait3A_159 = tpu.memref_squeeze %dma_wait3A : memref<1x640xf32, #tpu.memory_space<vmem_shared>> -> memref<640xf32, #tpu.memory_space<vmem_shared>>
      %dma_wait3A_160 = tpu.memref_slice %arg8[%run_scoped3A_67, %mul3A_20] : memref<16x10240xf32, #tpu.memory_space<vmem_shared>> -> memref<1x640xf32, #tpu.memory_space<vmem_shared>>
      %dma_wait3A_161 = tpu.memref_squeeze %dma_wait3A_160 : memref<1x640xf32, #tpu.memory_space<vmem_shared>> -> memref<640xf32, #tpu.memory_space<vmem_shared>>
      tpu.wait_dma2 semaphore(%run_scoped3A_155 : memref<!tpu.dma_semaphore, #tpu.memory_space<semaphore_mem>>) src(%dma_wait3A_161 : memref<640xf32, #tpu.memory_space<vmem_shared>>) dst(%arg7 : memref<640xf32, #tpu.memory_space<vmem>>)
      tpu.yield
    }) : () -> ()
    %scan3A_68 = arith.constant 0 : i32
    %scan3A_69 = arith.constant 0 : i32
    %scan3A_70 = arith.constant 40 : i32
    %scan3A_71 = arith.addi %scan3A_69, %scan3A_70 : i32
    %scan3A_72 = arith.constant 1 : i32
    %scan3A_73 = scf.for %scan3A_155 = %scan3A_69 to %scan3A_71 step %scan3A_72 iter_args(%scan3A_156 = %scan3A_68) -> (i32)  : i32 {
      %mul3A_157 = arith.constant 16 : i32
      %mul3A_158 = arith.muli %scan3A_155, %mul3A_157 : i32
      %get3A = arith.index_cast %mul3A_158 : i32 to index
      %get3A_159 = tpu.vector_load %arg6[%get3A] {strides = array<i32>} : memref<640xf32, #tpu.memory_space<vmem>>, vector<16xf32>,
      %mul3A_160 = arith.constant 16 : i32
      %mul3A_161 = arith.muli %scan3A_155, %mul3A_160 : i32
      %get3A_162 = arith.index_cast %mul3A_161 : i32 to index
      %get3A_163 = tpu.vector_load %arg7[%get3A_162] {strides = array<i32>} : memref<640xf32, #tpu.memory_space<vmem>>, vector<16xf32>,
      %add3A_164 = arith.addf %get3A_159, %get3A_163 : vector<16xf32>
      %mul3A_165 = arith.constant 16 : i32
      %mul3A_166 = arith.muli %scan3A_155, %mul3A_165 : i32
      %swap3A = arith.index_cast %mul3A_166 : i32 to index
      %swap3A_167 = tpu.vector_load %arg6[%swap3A] {strides = array<i32>} : memref<640xf32, #tpu.memory_space<vmem>>, vector<16xf32>,
      tpu.vector_store %arg6[%swap3A], %add3A_164 {strides = array<i32>} : memref<640xf32, #tpu.memory_space<vmem>>, vector<16xf32>,
      %scan3A_168 = arith.constant 0 : i32
      scf.yield %scan3A_168 : i32
    }
    %scan3A_74 = arith.constant 40 : i32
    %run_scoped3A_75 = arith.constant 6 : i32
    "tpu.region"() ({
      %run_scoped3A_155 = tpu.sem_alloc : memref<!tpu.dma_semaphore, #tpu.memory_space<semaphore_mem>>
      %dma_start3A = tpu.memref_slice %arg8[%run_scoped3A_75, %mul3A_20] : memref<16x10240xf32, #tpu.memory_space<vmem_shared>> -> memref<1x640xf32, #tpu.memory_space<vmem_shared>>
      %dma_start3A_156 = tpu.memref_squeeze %dma_start3A : memref<1x640xf32, #tpu.memory_space<vmem_shared>> -> memref<640xf32, #tpu.memory_space<vmem_shared>>
      %dma_start3A_157 = tpu.memref_slice %arg8[%run_scoped3A_75, %mul3A_20] : memref<16x10240xf32, #tpu.memory_space<vmem_shared>> -> memref<1x640xf32, #tpu.memory_space<vmem_shared>>
      %dma_start3A_158 = tpu.memref_squeeze %dma_start3A_157 : memref<1x640xf32, #tpu.memory_space<vmem_shared>> -> memref<640xf32, #tpu.memory_space<vmem_shared>>
      tpu.enqueue_dma source(%dma_start3A_158 : memref<640xf32, #tpu.memory_space<vmem_shared>>) target(%arg7 : memref<640xf32, #tpu.memory_space<vmem>>) target_semaphore(%run_scoped3A_155 : memref<!tpu.dma_semaphore, #tpu.memory_space<semaphore_mem>>)
      %dma_wait3A = tpu.memref_slice %arg8[%run_scoped3A_75, %mul3A_20] : memref<16x10240xf32, #tpu.memory_space<vmem_shared>> -> memref<1x640xf32, #tpu.memory_space<vmem_shared>>
      %dma_wait3A_159 = tpu.memref_squeeze %dma_wait3A : memref<1x640xf32, #tpu.memory_space<vmem_shared>> -> memref<640xf32, #tpu.memory_space<vmem_shared>>
      %dma_wait3A_160 = tpu.memref_slice %arg8[%run_scoped3A_75, %mul3A_20] : memref<16x10240xf32, #tpu.memory_space<vmem_shared>> -> memref<1x640xf32, #tpu.memory_space<vmem_shared>>
      %dma_wait3A_161 = tpu.memref_squeeze %dma_wait3A_160 : memref<1x640xf32, #tpu.memory_space<vmem_shared>> -> memref<640xf32, #tpu.memory_space<vmem_shared>>
      tpu.wait_dma2 semaphore(%run_scoped3A_155 : memref<!tpu.dma_semaphore, #tpu.memory_space<semaphore_mem>>) src(%dma_wait3A_161 : memref<640xf32, #tpu.memory_space<vmem_shared>>) dst(%arg7 : memref<640xf32, #tpu.memory_space<vmem>>)
      tpu.yield
    }) : () -> ()
    %scan3A_76 = arith.constant 0 : i32
    %scan3A_77 = arith.constant 0 : i32
    %scan3A_78 = arith.constant 40 : i32
    %scan3A_79 = arith.addi %scan3A_77, %scan3A_78 : i32
    %scan3A_80 = arith.constant 1 : i32
    %scan3A_81 = scf.for %scan3A_155 = %scan3A_77 to %scan3A_79 step %scan3A_80 iter_args(%scan3A_156 = %scan3A_76) -> (i32)  : i32 {
      %mul3A_157 = arith.constant 16 : i32
      %mul3A_158 = arith.muli %scan3A_155, %mul3A_157 : i32
      %get3A = arith.index_cast %mul3A_158 : i32 to index
      %get3A_159 = tpu.vector_load %arg6[%get3A] {strides = array<i32>} : memref<640xf32, #tpu.memory_space<vmem>>, vector<16xf32>,
      %mul3A_160 = arith.constant 16 : i32
      %mul3A_161 = arith.muli %scan3A_155, %mul3A_160 : i32
      %get3A_162 = arith.index_cast %mul3A_161 : i32 to index
      %get3A_163 = tpu.vector_load %arg7[%get3A_162] {strides = array<i32>} : memref<640xf32, #tpu.memory_space<vmem>>, vector<16xf32>,
      %add3A_164 = arith.addf %get3A_159, %get3A_163 : vector<16xf32>
      %mul3A_165 = arith.constant 16 : i32
      %mul3A_166 = arith.muli %scan3A_155, %mul3A_165 : i32
      %swap3A = arith.index_cast %mul3A_166 : i32 to index
      %swap3A_167 = tpu.vector_load %arg6[%swap3A] {strides = array<i32>} : memref<640xf32, #tpu.memory_space<vmem>>, vector<16xf32>,
      tpu.vector_store %arg6[%swap3A], %add3A_164 {strides = array<i32>} : memref<640xf32, #tpu.memory_space<vmem>>, vector<16xf32>,
      %scan3A_168 = arith.constant 0 : i32
      scf.yield %scan3A_168 : i32
    }
    %scan3A_82 = arith.constant 40 : i32
    %run_scoped3A_83 = arith.constant 7 : i32
    "tpu.region"() ({
      %run_scoped3A_155 = tpu.sem_alloc : memref<!tpu.dma_semaphore, #tpu.memory_space<semaphore_mem>>
      %dma_start3A = tpu.memref_slice %arg8[%run_scoped3A_83, %mul3A_20] : memref<16x10240xf32, #tpu.memory_space<vmem_shared>> -> memref<1x640xf32, #tpu.memory_space<vmem_shared>>
      %dma_start3A_156 = tpu.memref_squeeze %dma_start3A : memref<1x640xf32, #tpu.memory_space<vmem_shared>> -> memref<640xf32, #tpu.memory_space<vmem_shared>>
      %dma_start3A_157 = tpu.memref_slice %arg8[%run_scoped3A_83, %mul3A_20] : memref<16x10240xf32, #tpu.memory_space<vmem_shared>> -> memref<1x640xf32, #tpu.memory_space<vmem_shared>>
      %dma_start3A_158 = tpu.memref_squeeze %dma_start3A_157 : memref<1x640xf32, #tpu.memory_space<vmem_shared>> -> memref<640xf32, #tpu.memory_space<vmem_shared>>
      tpu.enqueue_dma source(%dma_start3A_158 : memref<640xf32, #tpu.memory_space<vmem_shared>>) target(%arg7 : memref<640xf32, #tpu.memory_space<vmem>>) target_semaphore(%run_scoped3A_155 : memref<!tpu.dma_semaphore, #tpu.memory_space<semaphore_mem>>)
      %dma_wait3A = tpu.memref_slice %arg8[%run_scoped3A_83, %mul3A_20] : memref<16x10240xf32, #tpu.memory_space<vmem_shared>> -> memref<1x640xf32, #tpu.memory_space<vmem_shared>>
      %dma_wait3A_159 = tpu.memref_squeeze %dma_wait3A : memref<1x640xf32, #tpu.memory_space<vmem_shared>> -> memref<640xf32, #tpu.memory_space<vmem_shared>>
      %dma_wait3A_160 = tpu.memref_slice %arg8[%run_scoped3A_83, %mul3A_20] : memref<16x10240xf32, #tpu.memory_space<vmem_shared>> -> memref<1x640xf32, #tpu.memory_space<vmem_shared>>
      %dma_wait3A_161 = tpu.memref_squeeze %dma_wait3A_160 : memref<1x640xf32, #tpu.memory_space<vmem_shared>> -> memref<640xf32, #tpu.memory_space<vmem_shared>>
      tpu.wait_dma2 semaphore(%run_scoped3A_155 : memref<!tpu.dma_semaphore, #tpu.memory_space<semaphore_mem>>) src(%dma_wait3A_161 : memref<640xf32, #tpu.memory_space<vmem_shared>>) dst(%arg7 : memref<640xf32, #tpu.memory_space<vmem>>)
      tpu.yield
    }) : () -> ()
    %scan3A_84 = arith.constant 0 : i32
    %scan3A_85 = arith.constant 0 : i32
    %scan3A_86 = arith.constant 40 : i32
    %scan3A_87 = arith.addi %scan3A_85, %scan3A_86 : i32
    %scan3A_88 = arith.constant 1 : i32
    %scan3A_89 = scf.for %scan3A_155 = %scan3A_85 to %scan3A_87 step %scan3A_88 iter_args(%scan3A_156 = %scan3A_84) -> (i32)  : i32 {
      %mul3A_157 = arith.constant 16 : i32
      %mul3A_158 = arith.muli %scan3A_155, %mul3A_157 : i32
      %get3A = arith.index_cast %mul3A_158 : i32 to index
      %get3A_159 = tpu.vector_load %arg6[%get3A] {strides = array<i32>} : memref<640xf32, #tpu.memory_space<vmem>>, vector<16xf32>,
      %mul3A_160 = arith.constant 16 : i32
      %mul3A_161 = arith.muli %scan3A_155, %mul3A_160 : i32
      %get3A_162 = arith.index_cast %mul3A_161 : i32 to index
      %get3A_163 = tpu.vector_load %arg7[%get3A_162] {strides = array<i32>} : memref<640xf32, #tpu.memory_space<vmem>>, vector<16xf32>,
      %add3A_164 = arith.addf %get3A_159, %get3A_163 : vector<16xf32>
      %mul3A_165 = arith.constant 16 : i32
      %mul3A_166 = arith.muli %scan3A_155, %mul3A_165 : i32
      %swap3A = arith.index_cast %mul3A_166 : i32 to index
      %swap3A_167 = tpu.vector_load %arg6[%swap3A] {strides = array<i32>} : memref<640xf32, #tpu.memory_space<vmem>>, vector<16xf32>,
      tpu.vector_store %arg6[%swap3A], %add3A_164 {strides = array<i32>} : memref<640xf32, #tpu.memory_space<vmem>>, vector<16xf32>,
      %scan3A_168 = arith.constant 0 : i32
      scf.yield %scan3A_168 : i32
    }
    %scan3A_90 = arith.constant 40 : i32
    %run_scoped3A_91 = arith.constant 8 : i32
    "tpu.region"() ({
      %run_scoped3A_155 = tpu.sem_alloc : memref<!tpu.dma_semaphore, #tpu.memory_space<semaphore_mem>>
      %dma_start3A = tpu.memref_slice %arg8[%run_scoped3A_91, %mul3A_20] : memref<16x10240xf32, #tpu.memory_space<vmem_shared>> -> memref<1x640xf32, #tpu.memory_space<vmem_shared>>
      %dma_start3A_156 = tpu.memref_squeeze %dma_start3A : memref<1x640xf32, #tpu.memory_space<vmem_shared>> -> memref<640xf32, #tpu.memory_space<vmem_shared>>
      %dma_start3A_157 = tpu.memref_slice %arg8[%run_scoped3A_91, %mul3A_20] : memref<16x10240xf32, #tpu.memory_space<vmem_shared>> -> memref<1x640xf32, #tpu.memory_space<vmem_shared>>
      %dma_start3A_158 = tpu.memref_squeeze %dma_start3A_157 : memref<1x640xf32, #tpu.memory_space<vmem_shared>> -> memref<640xf32, #tpu.memory_space<vmem_shared>>
      tpu.enqueue_dma source(%dma_start3A_158 : memref<640xf32, #tpu.memory_space<vmem_shared>>) target(%arg7 : memref<640xf32, #tpu.memory_space<vmem>>) target_semaphore(%run_scoped3A_155 : memref<!tpu.dma_semaphore, #tpu.memory_space<semaphore_mem>>)
      %dma_wait3A = tpu.memref_slice %arg8[%run_scoped3A_91, %mul3A_20] : memref<16x10240xf32, #tpu.memory_space<vmem_shared>> -> memref<1x640xf32, #tpu.memory_space<vmem_shared>>
      %dma_wait3A_159 = tpu.memref_squeeze %dma_wait3A : memref<1x640xf32, #tpu.memory_space<vmem_shared>> -> memref<640xf32, #tpu.memory_space<vmem_shared>>
      %dma_wait3A_160 = tpu.memref_slice %arg8[%run_scoped3A_91, %mul3A_20] : memref<16x10240xf32, #tpu.memory_space<vmem_shared>> -> memref<1x640xf32, #tpu.memory_space<vmem_shared>>
      %dma_wait3A_161 = tpu.memref_squeeze %dma_wait3A_160 : memref<1x640xf32, #tpu.memory_space<vmem_shared>> -> memref<640xf32, #tpu.memory_space<vmem_shared>>
      tpu.wait_dma2 semaphore(%run_scoped3A_155 : memref<!tpu.dma_semaphore, #tpu.memory_space<semaphore_mem>>) src(%dma_wait3A_161 : memref<640xf32, #tpu.memory_space<vmem_shared>>) dst(%arg7 : memref<640xf32, #tpu.memory_space<vmem>>)
      tpu.yield
    }) : () -> ()
    %scan3A_92 = arith.constant 0 : i32
    %scan3A_93 = arith.constant 0 : i32
    %scan3A_94 = arith.constant 40 : i32
    %scan3A_95 = arith.addi %scan3A_93, %scan3A_94 : i32
    %scan3A_96 = arith.constant 1 : i32
    %scan3A_97 = scf.for %scan3A_155 = %scan3A_93 to %scan3A_95 step %scan3A_96 iter_args(%scan3A_156 = %scan3A_92) -> (i32)  : i32 {
      %mul3A_157 = arith.constant 16 : i32
      %mul3A_158 = arith.muli %scan3A_155, %mul3A_157 : i32
      %get3A = arith.index_cast %mul3A_158 : i32 to index
      %get3A_159 = tpu.vector_load %arg6[%get3A] {strides = array<i32>} : memref<640xf32, #tpu.memory_space<vmem>>, vector<16xf32>,
      %mul3A_160 = arith.constant 16 : i32
      %mul3A_161 = arith.muli %scan3A_155, %mul3A_160 : i32
      %get3A_162 = arith.index_cast %mul3A_161 : i32 to index
      %get3A_163 = tpu.vector_load %arg7[%get3A_162] {strides = array<i32>} : memref<640xf32, #tpu.memory_space<vmem>>, vector<16xf32>,
      %add3A_164 = arith.addf %get3A_159, %get3A_163 : vector<16xf32>
      %mul3A_165 = arith.constant 16 : i32
      %mul3A_166 = arith.muli %scan3A_155, %mul3A_165 : i32
      %swap3A = arith.index_cast %mul3A_166 : i32 to index
      %swap3A_167 = tpu.vector_load %arg6[%swap3A] {strides = array<i32>} : memref<640xf32, #tpu.memory_space<vmem>>, vector<16xf32>,
      tpu.vector_store %arg6[%swap3A], %add3A_164 {strides = array<i32>} : memref<640xf32, #tpu.memory_space<vmem>>, vector<16xf32>,
      %scan3A_168 = arith.constant 0 : i32
      scf.yield %scan3A_168 : i32
    }
    %scan3A_98 = arith.constant 40 : i32
    %run_scoped3A_99 = arith.constant 9 : i32
    "tpu.region"() ({
      %run_scoped3A_155 = tpu.sem_alloc : memref<!tpu.dma_semaphore, #tpu.memory_space<semaphore_mem>>
      %dma_start3A = tpu.memref_slice %arg8[%run_scoped3A_99, %mul3A_20] : memref<16x10240xf32, #tpu.memory_space<vmem_shared>> -> memref<1x640xf32, #tpu.memory_space<vmem_shared>>
      %dma_start3A_156 = tpu.memref_squeeze %dma_start3A : memref<1x640xf32, #tpu.memory_space<vmem_shared>> -> memref<640xf32, #tpu.memory_space<vmem_shared>>
      %dma_start3A_157 = tpu.memref_slice %arg8[%run_scoped3A_99, %mul3A_20] : memref<16x10240xf32, #tpu.memory_space<vmem_shared>> -> memref<1x640xf32, #tpu.memory_space<vmem_shared>>
      %dma_start3A_158 = tpu.memref_squeeze %dma_start3A_157 : memref<1x640xf32, #tpu.memory_space<vmem_shared>> -> memref<640xf32, #tpu.memory_space<vmem_shared>>
      tpu.enqueue_dma source(%dma_start3A_158 : memref<640xf32, #tpu.memory_space<vmem_shared>>) target(%arg7 : memref<640xf32, #tpu.memory_space<vmem>>) target_semaphore(%run_scoped3A_155 : memref<!tpu.dma_semaphore, #tpu.memory_space<semaphore_mem>>)
      %dma_wait3A = tpu.memref_slice %arg8[%run_scoped3A_99, %mul3A_20] : memref<16x10240xf32, #tpu.memory_space<vmem_shared>> -> memref<1x640xf32, #tpu.memory_space<vmem_shared>>
      %dma_wait3A_159 = tpu.memref_squeeze %dma_wait3A : memref<1x640xf32, #tpu.memory_space<vmem_shared>> -> memref<640xf32, #tpu.memory_space<vmem_shared>>
      %dma_wait3A_160 = tpu.memref_slice %arg8[%run_scoped3A_99, %mul3A_20] : memref<16x10240xf32, #tpu.memory_space<vmem_shared>> -> memref<1x640xf32, #tpu.memory_space<vmem_shared>>
      %dma_wait3A_161 = tpu.memref_squeeze %dma_wait3A_160 : memref<1x640xf32, #tpu.memory_space<vmem_shared>> -> memref<640xf32, #tpu.memory_space<vmem_shared>>
      tpu.wait_dma2 semaphore(%run_scoped3A_155 : memref<!tpu.dma_semaphore, #tpu.memory_space<semaphore_mem>>) src(%dma_wait3A_161 : memref<640xf32, #tpu.memory_space<vmem_shared>>) dst(%arg7 : memref<640xf32, #tpu.memory_space<vmem>>)
      tpu.yield
    }) : () -> ()
    %scan3A_100 = arith.constant 0 : i32
    %scan3A_101 = arith.constant 0 : i32
    %scan3A_102 = arith.constant 40 : i32
    %scan3A_103 = arith.addi %scan3A_101, %scan3A_102 : i32
    %scan3A_104 = arith.constant 1 : i32
    %scan3A_105 = scf.for %scan3A_155 = %scan3A_101 to %scan3A_103 step %scan3A_104 iter_args(%scan3A_156 = %scan3A_100) -> (i32)  : i32 {
      %mul3A_157 = arith.constant 16 : i32
      %mul3A_158 = arith.muli %scan3A_155, %mul3A_157 : i32
      %get3A = arith.index_cast %mul3A_158 : i32 to index
      %get3A_159 = tpu.vector_load %arg6[%get3A] {strides = array<i32>} : memref<640xf32, #tpu.memory_space<vmem>>, vector<16xf32>,
      %mul3A_160 = arith.constant 16 : i32
      %mul3A_161 = arith.muli %scan3A_155, %mul3A_160 : i32
      %get3A_162 = arith.index_cast %mul3A_161 : i32 to index
      %get3A_163 = tpu.vector_load %arg7[%get3A_162] {strides = array<i32>} : memref<640xf32, #tpu.memory_space<vmem>>, vector<16xf32>,
      %add3A_164 = arith.addf %get3A_159, %get3A_163 : vector<16xf32>
      %mul3A_165 = arith.constant 16 : i32
      %mul3A_166 = arith.muli %scan3A_155, %mul3A_165 : i32
      %swap3A = arith.index_cast %mul3A_166 : i32 to index
      %swap3A_167 = tpu.vector_load %arg6[%swap3A] {strides = array<i32>} : memref<640xf32, #tpu.memory_space<vmem>>, vector<16xf32>,
      tpu.vector_store %arg6[%swap3A], %add3A_164 {strides = array<i32>} : memref<640xf32, #tpu.memory_space<vmem>>, vector<16xf32>,
      %scan3A_168 = arith.constant 0 : i32
      scf.yield %scan3A_168 : i32
    }
    %scan3A_106 = arith.constant 40 : i32
    %run_scoped3A_107 = arith.constant 10 : i32
    "tpu.region"() ({
      %run_scoped3A_155 = tpu.sem_alloc : memref<!tpu.dma_semaphore, #tpu.memory_space<semaphore_mem>>
      %dma_start3A = tpu.memref_slice %arg8[%run_scoped3A_107, %mul3A_20] : memref<16x10240xf32, #tpu.memory_space<vmem_shared>> -> memref<1x640xf32, #tpu.memory_space<vmem_shared>>
      %dma_start3A_156 = tpu.memref_squeeze %dma_start3A : memref<1x640xf32, #tpu.memory_space<vmem_shared>> -> memref<640xf32, #tpu.memory_space<vmem_shared>>
      %dma_start3A_157 = tpu.memref_slice %arg8[%run_scoped3A_107, %mul3A_20] : memref<16x10240xf32, #tpu.memory_space<vmem_shared>> -> memref<1x640xf32, #tpu.memory_space<vmem_shared>>
      %dma_start3A_158 = tpu.memref_squeeze %dma_start3A_157 : memref<1x640xf32, #tpu.memory_space<vmem_shared>> -> memref<640xf32, #tpu.memory_space<vmem_shared>>
      tpu.enqueue_dma source(%dma_start3A_158 : memref<640xf32, #tpu.memory_space<vmem_shared>>) target(%arg7 : memref<640xf32, #tpu.memory_space<vmem>>) target_semaphore(%run_scoped3A_155 : memref<!tpu.dma_semaphore, #tpu.memory_space<semaphore_mem>>)
      %dma_wait3A = tpu.memref_slice %arg8[%run_scoped3A_107, %mul3A_20] : memref<16x10240xf32, #tpu.memory_space<vmem_shared>> -> memref<1x640xf32, #tpu.memory_space<vmem_shared>>
      %dma_wait3A_159 = tpu.memref_squeeze %dma_wait3A : memref<1x640xf32, #tpu.memory_space<vmem_shared>> -> memref<640xf32, #tpu.memory_space<vmem_shared>>
      %dma_wait3A_160 = tpu.memref_slice %arg8[%run_scoped3A_107, %mul3A_20] : memref<16x10240xf32, #tpu.memory_space<vmem_shared>> -> memref<1x640xf32, #tpu.memory_space<vmem_shared>>
      %dma_wait3A_161 = tpu.memref_squeeze %dma_wait3A_160 : memref<1x640xf32, #tpu.memory_space<vmem_shared>> -> memref<640xf32, #tpu.memory_space<vmem_shared>>
      tpu.wait_dma2 semaphore(%run_scoped3A_155 : memref<!tpu.dma_semaphore, #tpu.memory_space<semaphore_mem>>) src(%dma_wait3A_161 : memref<640xf32, #tpu.memory_space<vmem_shared>>) dst(%arg7 : memref<640xf32, #tpu.memory_space<vmem>>)
      tpu.yield
    }) : () -> ()
    %scan3A_108 = arith.constant 0 : i32
    %scan3A_109 = arith.constant 0 : i32
    %scan3A_110 = arith.constant 40 : i32
    %scan3A_111 = arith.addi %scan3A_109, %scan3A_110 : i32
    %scan3A_112 = arith.constant 1 : i32
    %scan3A_113 = scf.for %scan3A_155 = %scan3A_109 to %scan3A_111 step %scan3A_112 iter_args(%scan3A_156 = %scan3A_108) -> (i32)  : i32 {
      %mul3A_157 = arith.constant 16 : i32
      %mul3A_158 = arith.muli %scan3A_155, %mul3A_157 : i32
      %get3A = arith.index_cast %mul3A_158 : i32 to index
      %get3A_159 = tpu.vector_load %arg6[%get3A] {strides = array<i32>} : memref<640xf32, #tpu.memory_space<vmem>>, vector<16xf32>,
      %mul3A_160 = arith.constant 16 : i32
      %mul3A_161 = arith.muli %scan3A_155, %mul3A_160 : i32
      %get3A_162 = arith.index_cast %mul3A_161 : i32 to index
      %get3A_163 = tpu.vector_load %arg7[%get3A_162] {strides = array<i32>} : memref<640xf32, #tpu.memory_space<vmem>>, vector<16xf32>,
      %add3A_164 = arith.addf %get3A_159, %get3A_163 : vector<16xf32>
      %mul3A_165 = arith.constant 16 : i32
      %mul3A_166 = arith.muli %scan3A_155, %mul3A_165 : i32
      %swap3A = arith.index_cast %mul3A_166 : i32 to index
      %swap3A_167 = tpu.vector_load %arg6[%swap3A] {strides = array<i32>} : memref<640xf32, #tpu.memory_space<vmem>>, vector<16xf32>,
      tpu.vector_store %arg6[%swap3A], %add3A_164 {strides = array<i32>} : memref<640xf32, #tpu.memory_space<vmem>>, vector<16xf32>,
      %scan3A_168 = arith.constant 0 : i32
      scf.yield %scan3A_168 : i32
    }
    %scan3A_114 = arith.constant 40 : i32
    %run_scoped3A_115 = arith.constant 11 : i32
    "tpu.region"() ({
      %run_scoped3A_155 = tpu.sem_alloc : memref<!tpu.dma_semaphore, #tpu.memory_space<semaphore_mem>>
      %dma_start3A = tpu.memref_slice %arg8[%run_scoped3A_115, %mul3A_20] : memref<16x10240xf32, #tpu.memory_space<vmem_shared>> -> memref<1x640xf32, #tpu.memory_space<vmem_shared>>
      %dma_start3A_156 = tpu.memref_squeeze %dma_start3A : memref<1x640xf32, #tpu.memory_space<vmem_shared>> -> memref<640xf32, #tpu.memory_space<vmem_shared>>
      %dma_start3A_157 = tpu.memref_slice %arg8[%run_scoped3A_115, %mul3A_20] : memref<16x10240xf32, #tpu.memory_space<vmem_shared>> -> memref<1x640xf32, #tpu.memory_space<vmem_shared>>
      %dma_start3A_158 = tpu.memref_squeeze %dma_start3A_157 : memref<1x640xf32, #tpu.memory_space<vmem_shared>> -> memref<640xf32, #tpu.memory_space<vmem_shared>>
      tpu.enqueue_dma source(%dma_start3A_158 : memref<640xf32, #tpu.memory_space<vmem_shared>>) target(%arg7 : memref<640xf32, #tpu.memory_space<vmem>>) target_semaphore(%run_scoped3A_155 : memref<!tpu.dma_semaphore, #tpu.memory_space<semaphore_mem>>)
      %dma_wait3A = tpu.memref_slice %arg8[%run_scoped3A_115, %mul3A_20] : memref<16x10240xf32, #tpu.memory_space<vmem_shared>> -> memref<1x640xf32, #tpu.memory_space<vmem_shared>>
      %dma_wait3A_159 = tpu.memref_squeeze %dma_wait3A : memref<1x640xf32, #tpu.memory_space<vmem_shared>> -> memref<640xf32, #tpu.memory_space<vmem_shared>>
      %dma_wait3A_160 = tpu.memref_slice %arg8[%run_scoped3A_115, %mul3A_20] : memref<16x10240xf32, #tpu.memory_space<vmem_shared>> -> memref<1x640xf32, #tpu.memory_space<vmem_shared>>
      %dma_wait3A_161 = tpu.memref_squeeze %dma_wait3A_160 : memref<1x640xf32, #tpu.memory_space<vmem_shared>> -> memref<640xf32, #tpu.memory_space<vmem_shared>>
      tpu.wait_dma2 semaphore(%run_scoped3A_155 : memref<!tpu.dma_semaphore, #tpu.memory_space<semaphore_mem>>) src(%dma_wait3A_161 : memref<640xf32, #tpu.memory_space<vmem_shared>>) dst(%arg7 : memref<640xf32, #tpu.memory_space<vmem>>)
      tpu.yield
    }) : () -> ()
    %scan3A_116 = arith.constant 0 : i32
    %scan3A_117 = arith.constant 0 : i32
    %scan3A_118 = arith.constant 40 : i32
    %scan3A_119 = arith.addi %scan3A_117, %scan3A_118 : i32
    %scan3A_120 = arith.constant 1 : i32
    %scan3A_121 = scf.for %scan3A_155 = %scan3A_117 to %scan3A_119 step %scan3A_120 iter_args(%scan3A_156 = %scan3A_116) -> (i32)  : i32 {
      %mul3A_157 = arith.constant 16 : i32
      %mul3A_158 = arith.muli %scan3A_155, %mul3A_157 : i32
      %get3A = arith.index_cast %mul3A_158 : i32 to index
      %get3A_159 = tpu.vector_load %arg6[%get3A] {strides = array<i32>} : memref<640xf32, #tpu.memory_space<vmem>>, vector<16xf32>,
      %mul3A_160 = arith.constant 16 : i32
      %mul3A_161 = arith.muli %scan3A_155, %mul3A_160 : i32
      %get3A_162 = arith.index_cast %mul3A_161 : i32 to index
      %get3A_163 = tpu.vector_load %arg7[%get3A_162] {strides = array<i32>} : memref<640xf32, #tpu.memory_space<vmem>>, vector<16xf32>,
      %add3A_164 = arith.addf %get3A_159, %get3A_163 : vector<16xf32>
      %mul3A_165 = arith.constant 16 : i32
      %mul3A_166 = arith.muli %scan3A_155, %mul3A_165 : i32
      %swap3A = arith.index_cast %mul3A_166 : i32 to index
      %swap3A_167 = tpu.vector_load %arg6[%swap3A] {strides = array<i32>} : memref<640xf32, #tpu.memory_space<vmem>>, vector<16xf32>,
      tpu.vector_store %arg6[%swap3A], %add3A_164 {strides = array<i32>} : memref<640xf32, #tpu.memory_space<vmem>>, vector<16xf32>,
      %scan3A_168 = arith.constant 0 : i32
      scf.yield %scan3A_168 : i32
    }
    %scan3A_122 = arith.constant 40 : i32
    %run_scoped3A_123 = arith.constant 12 : i32
    "tpu.region"() ({
      %run_scoped3A_155 = tpu.sem_alloc : memref<!tpu.dma_semaphore, #tpu.memory_space<semaphore_mem>>
      %dma_start3A = tpu.memref_slice %arg8[%run_scoped3A_123, %mul3A_20] : memref<16x10240xf32, #tpu.memory_space<vmem_shared>> -> memref<1x640xf32, #tpu.memory_space<vmem_shared>>
      %dma_start3A_156 = tpu.memref_squeeze %dma_start3A : memref<1x640xf32, #tpu.memory_space<vmem_shared>> -> memref<640xf32, #tpu.memory_space<vmem_shared>>
      %dma_start3A_157 = tpu.memref_slice %arg8[%run_scoped3A_123, %mul3A_20] : memref<16x10240xf32, #tpu.memory_space<vmem_shared>> -> memref<1x640xf32, #tpu.memory_space<vmem_shared>>
      %dma_start3A_158 = tpu.memref_squeeze %dma_start3A_157 : memref<1x640xf32, #tpu.memory_space<vmem_shared>> -> memref<640xf32, #tpu.memory_space<vmem_shared>>
      tpu.enqueue_dma source(%dma_start3A_158 : memref<640xf32, #tpu.memory_space<vmem_shared>>) target(%arg7 : memref<640xf32, #tpu.memory_space<vmem>>) target_semaphore(%run_scoped3A_155 : memref<!tpu.dma_semaphore, #tpu.memory_space<semaphore_mem>>)
      %dma_wait3A = tpu.memref_slice %arg8[%run_scoped3A_123, %mul3A_20] : memref<16x10240xf32, #tpu.memory_space<vmem_shared>> -> memref<1x640xf32, #tpu.memory_space<vmem_shared>>
      %dma_wait3A_159 = tpu.memref_squeeze %dma_wait3A : memref<1x640xf32, #tpu.memory_space<vmem_shared>> -> memref<640xf32, #tpu.memory_space<vmem_shared>>
      %dma_wait3A_160 = tpu.memref_slice %arg8[%run_scoped3A_123, %mul3A_20] : memref<16x10240xf32, #tpu.memory_space<vmem_shared>> -> memref<1x640xf32, #tpu.memory_space<vmem_shared>>
      %dma_wait3A_161 = tpu.memref_squeeze %dma_wait3A_160 : memref<1x640xf32, #tpu.memory_space<vmem_shared>> -> memref<640xf32, #tpu.memory_space<vmem_shared>>
      tpu.wait_dma2 semaphore(%run_scoped3A_155 : memref<!tpu.dma_semaphore, #tpu.memory_space<semaphore_mem>>) src(%dma_wait3A_161 : memref<640xf32, #tpu.memory_space<vmem_shared>>) dst(%arg7 : memref<640xf32, #tpu.memory_space<vmem>>)
      tpu.yield
    }) : () -> ()
    %scan3A_124 = arith.constant 0 : i32
    %scan3A_125 = arith.constant 0 : i32
    %scan3A_126 = arith.constant 40 : i32
    %scan3A_127 = arith.addi %scan3A_125, %scan3A_126 : i32
    %scan3A_128 = arith.constant 1 : i32
    %scan3A_129 = scf.for %scan3A_155 = %scan3A_125 to %scan3A_127 step %scan3A_128 iter_args(%scan3A_156 = %scan3A_124) -> (i32)  : i32 {
      %mul3A_157 = arith.constant 16 : i32
      %mul3A_158 = arith.muli %scan3A_155, %mul3A_157 : i32
      %get3A = arith.index_cast %mul3A_158 : i32 to index
      %get3A_159 = tpu.vector_load %arg6[%get3A] {strides = array<i32>} : memref<640xf32, #tpu.memory_space<vmem>>, vector<16xf32>,
      %mul3A_160 = arith.constant 16 : i32
      %mul3A_161 = arith.muli %scan3A_155, %mul3A_160 : i32
      %get3A_162 = arith.index_cast %mul3A_161 : i32 to index
      %get3A_163 = tpu.vector_load %arg7[%get3A_162] {strides = array<i32>} : memref<640xf32, #tpu.memory_space<vmem>>, vector<16xf32>,
      %add3A_164 = arith.addf %get3A_159, %get3A_163 : vector<16xf32>
      %mul3A_165 = arith.constant 16 : i32
      %mul3A_166 = arith.muli %scan3A_155, %mul3A_165 : i32
      %swap3A = arith.index_cast %mul3A_166 : i32 to index
      %swap3A_167 = tpu.vector_load %arg6[%swap3A] {strides = array<i32>} : memref<640xf32, #tpu.memory_space<vmem>>, vector<16xf32>,
      tpu.vector_store %arg6[%swap3A], %add3A_164 {strides = array<i32>} : memref<640xf32, #tpu.memory_space<vmem>>, vector<16xf32>,
      %scan3A_168 = arith.constant 0 : i32
      scf.yield %scan3A_168 : i32
    }
    %scan3A_130 = arith.constant 40 : i32
    %run_scoped3A_131 = arith.constant 13 : i32
    "tpu.region"() ({
      %run_scoped3A_155 = tpu.sem_alloc : memref<!tpu.dma_semaphore, #tpu.memory_space<semaphore_mem>>
      %dma_start3A = tpu.memref_slice %arg8[%run_scoped3A_131, %mul3A_20] : memref<16x10240xf32, #tpu.memory_space<vmem_shared>> -> memref<1x640xf32, #tpu.memory_space<vmem_shared>>
      %dma_start3A_156 = tpu.memref_squeeze %dma_start3A : memref<1x640xf32, #tpu.memory_space<vmem_shared>> -> memref<640xf32, #tpu.memory_space<vmem_shared>>
      %dma_start3A_157 = tpu.memref_slice %arg8[%run_scoped3A_131, %mul3A_20] : memref<16x10240xf32, #tpu.memory_space<vmem_shared>> -> memref<1x640xf32, #tpu.memory_space<vmem_shared>>
      %dma_start3A_158 = tpu.memref_squeeze %dma_start3A_157 : memref<1x640xf32, #tpu.memory_space<vmem_shared>> -> memref<640xf32, #tpu.memory_space<vmem_shared>>
      tpu.enqueue_dma source(%dma_start3A_158 : memref<640xf32, #tpu.memory_space<vmem_shared>>) target(%arg7 : memref<640xf32, #tpu.memory_space<vmem>>) target_semaphore(%run_scoped3A_155 : memref<!tpu.dma_semaphore, #tpu.memory_space<semaphore_mem>>)
      %dma_wait3A = tpu.memref_slice %arg8[%run_scoped3A_131, %mul3A_20] : memref<16x10240xf32, #tpu.memory_space<vmem_shared>> -> memref<1x640xf32, #tpu.memory_space<vmem_shared>>
      %dma_wait3A_159 = tpu.memref_squeeze %dma_wait3A : memref<1x640xf32, #tpu.memory_space<vmem_shared>> -> memref<640xf32, #tpu.memory_space<vmem_shared>>
      %dma_wait3A_160 = tpu.memref_slice %arg8[%run_scoped3A_131, %mul3A_20] : memref<16x10240xf32, #tpu.memory_space<vmem_shared>> -> memref<1x640xf32, #tpu.memory_space<vmem_shared>>
      %dma_wait3A_161 = tpu.memref_squeeze %dma_wait3A_160 : memref<1x640xf32, #tpu.memory_space<vmem_shared>> -> memref<640xf32, #tpu.memory_space<vmem_shared>>
      tpu.wait_dma2 semaphore(%run_scoped3A_155 : memref<!tpu.dma_semaphore, #tpu.memory_space<semaphore_mem>>) src(%dma_wait3A_161 : memref<640xf32, #tpu.memory_space<vmem_shared>>) dst(%arg7 : memref<640xf32, #tpu.memory_space<vmem>>)
      tpu.yield
    }) : () -> ()
    %scan3A_132 = arith.constant 0 : i32
    %scan3A_133 = arith.constant 0 : i32
    %scan3A_134 = arith.constant 40 : i32
    %scan3A_135 = arith.addi %scan3A_133, %scan3A_134 : i32
    %scan3A_136 = arith.constant 1 : i32
    %scan3A_137 = scf.for %scan3A_155 = %scan3A_133 to %scan3A_135 step %scan3A_136 iter_args(%scan3A_156 = %scan3A_132) -> (i32)  : i32 {
      %mul3A_157 = arith.constant 16 : i32
      %mul3A_158 = arith.muli %scan3A_155, %mul3A_157 : i32
      %get3A = arith.index_cast %mul3A_158 : i32 to index
      %get3A_159 = tpu.vector_load %arg6[%get3A] {strides = array<i32>} : memref<640xf32, #tpu.memory_space<vmem>>, vector<16xf32>,
      %mul3A_160 = arith.constant 16 : i32
      %mul3A_161 = arith.muli %scan3A_155, %mul3A_160 : i32
      %get3A_162 = arith.index_cast %mul3A_161 : i32 to index
      %get3A_163 = tpu.vector_load %arg7[%get3A_162] {strides = array<i32>} : memref<640xf32, #tpu.memory_space<vmem>>, vector<16xf32>,
      %add3A_164 = arith.addf %get3A_159, %get3A_163 : vector<16xf32>
      %mul3A_165 = arith.constant 16 : i32
      %mul3A_166 = arith.muli %scan3A_155, %mul3A_165 : i32
      %swap3A = arith.index_cast %mul3A_166 : i32 to index
      %swap3A_167 = tpu.vector_load %arg6[%swap3A] {strides = array<i32>} : memref<640xf32, #tpu.memory_space<vmem>>, vector<16xf32>,
      tpu.vector_store %arg6[%swap3A], %add3A_164 {strides = array<i32>} : memref<640xf32, #tpu.memory_space<vmem>>, vector<16xf32>,
      %scan3A_168 = arith.constant 0 : i32
      scf.yield %scan3A_168 : i32
    }
    %scan3A_138 = arith.constant 40 : i32
    %run_scoped3A_139 = arith.constant 14 : i32
    "tpu.region"() ({
      %run_scoped3A_155 = tpu.sem_alloc : memref<!tpu.dma_semaphore, #tpu.memory_space<semaphore_mem>>
      %dma_start3A = tpu.memref_slice %arg8[%run_scoped3A_139, %mul3A_20] : memref<16x10240xf32, #tpu.memory_space<vmem_shared>> -> memref<1x640xf32, #tpu.memory_space<vmem_shared>>
      %dma_start3A_156 = tpu.memref_squeeze %dma_start3A : memref<1x640xf32, #tpu.memory_space<vmem_shared>> -> memref<640xf32, #tpu.memory_space<vmem_shared>>
      %dma_start3A_157 = tpu.memref_slice %arg8[%run_scoped3A_139, %mul3A_20] : memref<16x10240xf32, #tpu.memory_space<vmem_shared>> -> memref<1x640xf32, #tpu.memory_space<vmem_shared>>
      %dma_start3A_158 = tpu.memref_squeeze %dma_start3A_157 : memref<1x640xf32, #tpu.memory_space<vmem_shared>> -> memref<640xf32, #tpu.memory_space<vmem_shared>>
      tpu.enqueue_dma source(%dma_start3A_158 : memref<640xf32, #tpu.memory_space<vmem_shared>>) target(%arg7 : memref<640xf32, #tpu.memory_space<vmem>>) target_semaphore(%run_scoped3A_155 : memref<!tpu.dma_semaphore, #tpu.memory_space<semaphore_mem>>)
      %dma_wait3A = tpu.memref_slice %arg8[%run_scoped3A_139, %mul3A_20] : memref<16x10240xf32, #tpu.memory_space<vmem_shared>> -> memref<1x640xf32, #tpu.memory_space<vmem_shared>>
      %dma_wait3A_159 = tpu.memref_squeeze %dma_wait3A : memref<1x640xf32, #tpu.memory_space<vmem_shared>> -> memref<640xf32, #tpu.memory_space<vmem_shared>>
      %dma_wait3A_160 = tpu.memref_slice %arg8[%run_scoped3A_139, %mul3A_20] : memref<16x10240xf32, #tpu.memory_space<vmem_shared>> -> memref<1x640xf32, #tpu.memory_space<vmem_shared>>
      %dma_wait3A_161 = tpu.memref_squeeze %dma_wait3A_160 : memref<1x640xf32, #tpu.memory_space<vmem_shared>> -> memref<640xf32, #tpu.memory_space<vmem_shared>>
      tpu.wait_dma2 semaphore(%run_scoped3A_155 : memref<!tpu.dma_semaphore, #tpu.memory_space<semaphore_mem>>) src(%dma_wait3A_161 : memref<640xf32, #tpu.memory_space<vmem_shared>>) dst(%arg7 : memref<640xf32, #tpu.memory_space<vmem>>)
      tpu.yield
    }) : () -> ()
    %scan3A_140 = arith.constant 0 : i32
    %scan3A_141 = arith.constant 0 : i32
    %scan3A_142 = arith.constant 40 : i32
    %scan3A_143 = arith.addi %scan3A_141, %scan3A_142 : i32
    %scan3A_144 = arith.constant 1 : i32
    %scan3A_145 = scf.for %scan3A_155 = %scan3A_141 to %scan3A_143 step %scan3A_144 iter_args(%scan3A_156 = %scan3A_140) -> (i32)  : i32 {
      %mul3A_157 = arith.constant 16 : i32
      %mul3A_158 = arith.muli %scan3A_155, %mul3A_157 : i32
      %get3A = arith.index_cast %mul3A_158 : i32 to index
      %get3A_159 = tpu.vector_load %arg6[%get3A] {strides = array<i32>} : memref<640xf32, #tpu.memory_space<vmem>>, vector<16xf32>,
      %mul3A_160 = arith.constant 16 : i32
      %mul3A_161 = arith.muli %scan3A_155, %mul3A_160 : i32
      %get3A_162 = arith.index_cast %mul3A_161 : i32 to index
      %get3A_163 = tpu.vector_load %arg7[%get3A_162] {strides = array<i32>} : memref<640xf32, #tpu.memory_space<vmem>>, vector<16xf32>,
      %add3A_164 = arith.addf %get3A_159, %get3A_163 : vector<16xf32>
      %mul3A_165 = arith.constant 16 : i32
      %mul3A_166 = arith.muli %scan3A_155, %mul3A_165 : i32
      %swap3A = arith.index_cast %mul3A_166 : i32 to index
      %swap3A_167 = tpu.vector_load %arg6[%swap3A] {strides = array<i32>} : memref<640xf32, #tpu.memory_space<vmem>>, vector<16xf32>,
      tpu.vector_store %arg6[%swap3A], %add3A_164 {strides = array<i32>} : memref<640xf32, #tpu.memory_space<vmem>>, vector<16xf32>,
      %scan3A_168 = arith.constant 0 : i32
      scf.yield %scan3A_168 : i32
    }
    %scan3A_146 = arith.constant 40 : i32
    %run_scoped3A_147 = arith.constant 15 : i32
    "tpu.region"() ({
      %run_scoped3A_155 = tpu.sem_alloc : memref<!tpu.dma_semaphore, #tpu.memory_space<semaphore_mem>>
      %dma_start3A = tpu.memref_slice %arg8[%run_scoped3A_147, %mul3A_20] : memref<16x10240xf32, #tpu.memory_space<vmem_shared>> -> memref<1x640xf32, #tpu.memory_space<vmem_shared>>
      %dma_start3A_156 = tpu.memref_squeeze %dma_start3A : memref<1x640xf32, #tpu.memory_space<vmem_shared>> -> memref<640xf32, #tpu.memory_space<vmem_shared>>
      %dma_start3A_157 = tpu.memref_slice %arg8[%run_scoped3A_147, %mul3A_20] : memref<16x10240xf32, #tpu.memory_space<vmem_shared>> -> memref<1x640xf32, #tpu.memory_space<vmem_shared>>
      %dma_start3A_158 = tpu.memref_squeeze %dma_start3A_157 : memref<1x640xf32, #tpu.memory_space<vmem_shared>> -> memref<640xf32, #tpu.memory_space<vmem_shared>>
      tpu.enqueue_dma source(%dma_start3A_158 : memref<640xf32, #tpu.memory_space<vmem_shared>>) target(%arg7 : memref<640xf32, #tpu.memory_space<vmem>>) target_semaphore(%run_scoped3A_155 : memref<!tpu.dma_semaphore, #tpu.memory_space<semaphore_mem>>)
      %dma_wait3A = tpu.memref_slice %arg8[%run_scoped3A_147, %mul3A_20] : memref<16x10240xf32, #tpu.memory_space<vmem_shared>> -> memref<1x640xf32, #tpu.memory_space<vmem_shared>>
      %dma_wait3A_159 = tpu.memref_squeeze %dma_wait3A : memref<1x640xf32, #tpu.memory_space<vmem_shared>> -> memref<640xf32, #tpu.memory_space<vmem_shared>>
      %dma_wait3A_160 = tpu.memref_slice %arg8[%run_scoped3A_147, %mul3A_20] : memref<16x10240xf32, #tpu.memory_space<vmem_shared>> -> memref<1x640xf32, #tpu.memory_space<vmem_shared>>
      %dma_wait3A_161 = tpu.memref_squeeze %dma_wait3A_160 : memref<1x640xf32, #tpu.memory_space<vmem_shared>> -> memref<640xf32, #tpu.memory_space<vmem_shared>>
      tpu.wait_dma2 semaphore(%run_scoped3A_155 : memref<!tpu.dma_semaphore, #tpu.memory_space<semaphore_mem>>) src(%dma_wait3A_161 : memref<640xf32, #tpu.memory_space<vmem_shared>>) dst(%arg7 : memref<640xf32, #tpu.memory_space<vmem>>)
      tpu.yield
    }) : () -> ()
    %scan3A_148 = arith.constant 0 : i32
    %scan3A_149 = arith.constant 0 : i32
    %scan3A_150 = arith.constant 40 : i32
    %scan3A_151 = arith.addi %scan3A_149, %scan3A_150 : i32
    %scan3A_152 = arith.constant 1 : i32
    %scan3A_153 = scf.for %scan3A_155 = %scan3A_149 to %scan3A_151 step %scan3A_152 iter_args(%scan3A_156 = %scan3A_148) -> (i32)  : i32 {
      %mul3A_157 = arith.constant 16 : i32
      %mul3A_158 = arith.muli %scan3A_155, %mul3A_157 : i32
      %get3A = arith.index_cast %mul3A_158 : i32 to index
      %get3A_159 = tpu.vector_load %arg6[%get3A] {strides = array<i32>} : memref<640xf32, #tpu.memory_space<vmem>>, vector<16xf32>,
      %mul3A_160 = arith.constant 16 : i32
      %mul3A_161 = arith.muli %scan3A_155, %mul3A_160 : i32
      %get3A_162 = arith.index_cast %mul3A_161 : i32 to index
      %get3A_163 = tpu.vector_load %arg7[%get3A_162] {strides = array<i32>} : memref<640xf32, #tpu.memory_space<vmem>>, vector<16xf32>,
      %add3A_164 = arith.addf %get3A_159, %get3A_163 : vector<16xf32>
      %mul3A_165 = arith.constant 16 : i32
      %mul3A_166 = arith.muli %scan3A_155, %mul3A_165 : i32
      %swap3A = arith.index_cast %mul3A_166 : i32 to index
      %swap3A_167 = tpu.vector_load %arg6[%swap3A] {strides = array<i32>} : memref<640xf32, #tpu.memory_space<vmem>>, vector<16xf32>,
      tpu.vector_store %arg6[%swap3A], %add3A_164 {strides = array<i32>} : memref<640xf32, #tpu.memory_space<vmem>>, vector<16xf32>,
      %scan3A_168 = arith.constant 0 : i32
      scf.yield %scan3A_168 : i32
    }
    %scan3A_154 = arith.constant 40 : i32
    "tpu.region"() ({
      %run_scoped3A_155 = tpu.sem_alloc : memref<!tpu.dma_semaphore, #tpu.memory_space<semaphore_mem>>
      %dma_start3A = tpu.memref_slice %arg3[%arg0, %mul3A_20] : memref<2x10240xf32, #tpu.memory_space<hbm>> -> memref<1x640xf32, #tpu.memory_space<hbm>>
      %dma_start3A_156 = tpu.memref_squeeze %dma_start3A : memref<1x640xf32, #tpu.memory_space<hbm>> -> memref<640xf32, #tpu.memory_space<hbm>>
      %dma_start3A_157 = tpu.memref_slice %arg3[%arg0, %mul3A_20] : memref<2x10240xf32, #tpu.memory_space<hbm>> -> memref<1x640xf32, #tpu.memory_space<hbm>>
      %dma_start3A_158 = tpu.memref_squeeze %dma_start3A_157 : memref<1x640xf32, #tpu.memory_space<hbm>> -> memref<640xf32, #tpu.memory_space<hbm>>
      tpu.enqueue_dma source(%arg6 : memref<640xf32, #tpu.memory_space<vmem>>) target(%dma_start3A_158 : memref<640xf32, #tpu.memory_space<hbm>>) target_semaphore(%run_scoped3A_155 : memref<!tpu.dma_semaphore, #tpu.memory_space<semaphore_mem>>)
      %dma_wait3A = tpu.memref_slice %arg3[%arg0, %mul3A_20] : memref<2x10240xf32, #tpu.memory_space<hbm>> -> memref<1x640xf32, #tpu.memory_space<hbm>>
      %dma_wait3A_159 = tpu.memref_squeeze %dma_wait3A : memref<1x640xf32, #tpu.memory_space<hbm>> -> memref<640xf32, #tpu.memory_space<hbm>>
      %dma_wait3A_160 = tpu.memref_slice %arg3[%arg0, %mul3A_20] : memref<2x10240xf32, #tpu.memory_space<hbm>> -> memref<1x640xf32, #tpu.memory_space<hbm>>
      %dma_wait3A_161 = tpu.memref_squeeze %dma_wait3A_160 : memref<1x640xf32, #tpu.memory_space<hbm>> -> memref<640xf32, #tpu.memory_space<hbm>>
      tpu.wait_dma2 semaphore(%run_scoped3A_155 : memref<!tpu.dma_semaphore, #tpu.memory_space<semaphore_mem>>) src(%arg6 : memref<640xf32, #tpu.memory_space<vmem>>) dst(%dma_wait3A_161 : memref<640xf32, #tpu.memory_space<hbm>>)
      tpu.yield
    }) : () -> ()
    return
  }
}

module attributes {stable_mosaic.version = 14 : i64} {
  func.func @_degfix_body(%arg0: memref<10240x1xf32, #tpu.memory_space<vmem>>, %arg1: memref<10240x1xf32, #tpu.memory_space<vmem>>, %arg2: memref<10240x128xf32, #tpu.memory_space<vmem>>, %arg3: memref<10240x1xf32, #tpu.memory_space<vmem>>, %arg4: memref<10240x1xf32, #tpu.memory_space<vmem>>, %arg5: memref<10240x128xf32, #tpu.memory_space<vmem>>) attributes {dimension_semantics = [], scalar_prefetch = 0 : i64, scratch_operands = 0 : i64, tpu.core_type = #tpu.core_type<tc>} {
    %get3A = arith.constant 0 : index
    %get3A_0 = arith.constant 0 : index
    %get3A_1 = vector.load %arg0[%get3A, %get3A_0] : memref<10240x1xf32, #tpu.memory_space<vmem>>, vector<10240x1xf32>
    %get3A_2 = arith.constant 0 : index
    %get3A_3 = arith.constant 0 : index
    %get3A_4 = vector.load %arg1[%get3A_2, %get3A_3] : memref<10240x1xf32, #tpu.memory_space<vmem>>, vector<10240x1xf32>
    %add3A = arith.addf %get3A_1, %get3A_4 : vector<10240x1xf32>
    %add3A_5 = arith.constant 1.000000e+00 : f32
    %add3A_6 = vector.broadcast %add3A_5 : f32 to vector<10240x1xf32>
    %add3A_7 = arith.addf %add3A, %add3A_6 : vector<10240x1xf32>
    %rsqrt3A = math.rsqrt %add3A_7 : vector<10240x1xf32>
    %swap3A = arith.constant 0 : index
    %swap3A_8 = arith.constant 0 : index
    %swap3A_9 = vector.load %arg3[%swap3A, %swap3A_8] : memref<10240x1xf32, #tpu.memory_space<vmem>>, vector<10240x1xf32>
    tpu.vector_store %arg3[%swap3A, %swap3A_8], %rsqrt3A {strides = array<i32>} : memref<10240x1xf32, #tpu.memory_space<vmem>>, vector<10240x1xf32>,
    %div3A = arith.constant 1.000000e+00 : f32
    %div3A_10 = vector.broadcast %div3A : f32 to vector<10240x1xf32>
    %div3A_11 = arith.divf %div3A_10, %add3A_7 : vector<10240x1xf32>
    %swap3A_12 = arith.constant 0 : index
    %swap3A_13 = arith.constant 0 : index
    %swap3A_14 = vector.load %arg4[%swap3A_12, %swap3A_13] : memref<10240x1xf32, #tpu.memory_space<vmem>>, vector<10240x1xf32>
    tpu.vector_store %arg4[%swap3A_12, %swap3A_13], %div3A_11 {strides = array<i32>} : memref<10240x1xf32, #tpu.memory_space<vmem>>, vector<10240x1xf32>,
    %get3A_15 = arith.constant 0 : index
    %get3A_16 = arith.constant 0 : index
    %get3A_17 = vector.load %arg2[%get3A_15, %get3A_16] : memref<10240x128xf32, #tpu.memory_space<vmem>>, vector<10240x128xf32>
    %mul3A = vector.broadcast %rsqrt3A : vector<10240x1xf32> to vector<10240x128xf32>
    %mul3A_18 = arith.mulf %get3A_17, %mul3A : vector<10240x128xf32>
    %swap3A_19 = arith.constant 0 : index
    %swap3A_20 = arith.constant 0 : index
    %swap3A_21 = vector.load %arg5[%swap3A_19, %swap3A_20] : memref<10240x128xf32, #tpu.memory_space<vmem>>, vector<10240x128xf32>
    tpu.vector_store %arg5[%swap3A_19, %swap3A_20], %mul3A_18 {strides = array<i32>} : memref<10240x128xf32, #tpu.memory_space<vmem>>, vector<10240x128xf32>,
    return
  }
}

</mosaic_0001>

<sc_bundles>
// kernel: _deg_stage.4.cloned.1.call-start
scs
__scs_entry_jumppad:
0x0: {  	(pc) =	sbr.rel $0x88, $3  }
0x1: {  	(tag) =	ssettag $0x0;
	lr =	simm.s32 $0x1  }
0x2: {  	[smem:$0x3F9F] =	sst lr;
	_ =	strace $0xD0000000  }
0x3: {  	_ = 	snop  }
0x4: {  	_ = 	snop  }
0x5: {  	_ = 	snop  }
0x6: {  	_ = 	snop  }
0x7: {  	_ = 	snop  }
__scs_overlays_trampoline_lowered:
0x8: {  	[smem:$0x3FAE] =	sst s0  }
0x9: {  	[smem:$0x3FAF] =	sst s1  }
0xa: {  	[smem:$0x3FB0] =	sst s2  }
0xb: {  	[smem:$0x3FB1] =	sst s3  }
0xc: {  	[smem:$0x3FB2] =	sst s4  }
0xd: {  	[smem:$0x3FB3] =	sst s5  }
0xe: {  	[smem:$0x3FB4] =	sst s6  }
0xf: {  	[smem:$0x3FB5] =	sst s7  }
0x10: {  	[smem:$0x3FB6] =	sst s8  }
0x11: {  	[smem:$0x3FB7] =	sst s9;
	s0 =	simm.s32 @!p0 $0x0  }
0x12: {  	s1 =	sld [smem:$0x3F9D];
	s0 =	simm.s32 @p0 $0x1  }
0x13: {  	[smem:$0x3FB8] =	sst s0;
	s0 =	simm.s32 @!p1 $0x0  }
0x14: {  	s2 =	sld [smem:$0x3F9C];
	s0 =	simm.s32 @p1 $0x1  }
0x15: {  	[smem:$0x3FB9] =	sst s0;
	s0 =	simm.s32 @!p2 $0x0  }
0x16: {  	s3 =	sld [smem:$0x3FDB];
	s0 =	simm.s32 @p2 $0x1  }
0x17: {  	s4 =	simm.s32 $0x1BF5;
	[smem:$0x3FBB] =	sst s0  }
0x18: {  	s0 =	sld [smem:$0x3F9E];
	_ =	swait.ge [sflag:s4], $0x0  }
0x19: {  	s7 =	sld [smem:$0x3F9F]  }
0x1a: {  	s8 =	sadd.s32 $0xFFFFE003, lr  }
0x1b: {  	s9 =	sadd.s32 $0xFFFFFEF7, lr;
	s5 =	simm.s32 $0xFFFFFFFF;
	p2 =	slt.u32 s8, $0xFFFFF086  }
0x1c: {  	p1 =	slt.u32 s9, $0xF7A;
	s5 =	simm.s32 @!p2 $0x0  }
0x1d: {  	s5 =	simm.s32 @p1 $0x1;
	p0 =	seq.s32 s7, s2  }
0x1e: {  	s7 =	smul.u32 @!p0 $0xF7A, s2;
	p2 =	seq.s32 @!p0 s5, $0x0  }
0x1f: {  	s9 =	smul.u32 $0xF7A, s1;
	s8 =	simm.s32 @!p0 $0x1BF5;
	p2 =	por !p2, p0  }
0x20: {  	[sflag:s8] =	ssyncset.s32 @!p0 $0xFFFFF086;
	s6 =	sadd.s32 @!p0 s3, s7;
	s7 =	simm.s32 @!p0 $0x108  }
0x21: {  	s3 =	sadd.s32 s3, s9;
	s6 =	sadd.s32 @!p0 $0x88, s6;
	s7 =	simm.s32 @p2 $0x1082  }
0x22: {  	[simem:s7], [sflag:s8] =	dma.local @!p0 [hbm:s6], $0xF7A  }
0x23: {  	s9 =	sor.u32 $0xD0000000, s2;
	s6 =	simm.s32 $0x108;
	_ =	swait.ge @!p0 [sflag:s8], $0x0  }
0x24: {  	s3 =	sadd.s32 $0x88, s3;
	s6 =	simm.s32 @!p1 $0x1082;
	[sflag:s4] =	ssyncset.s32 $0xFFFFF086  }
0x25: {  	[simem:s6], [sflag:s4] =	dma.local [hbm:s3], $0xF7A  }
0x26: {  	[smem:$0x3F9F] =	sst s1;
	(tag) =	ssettag s2;
	_ =	strace s9  }
0x27: {  	s1 =	sld [smem:$0x3FAF]  }
0x28: {  	s2 =	sld [smem:$0x3FB0]  }
0x29: {  	s4 =	sld [smem:$0x3FB2]  }
0x2a: {  	p0 =	seq.s32 s5, $0x0;
	s5 =	sld [smem:$0x3FB3]  }
0x2b: {  	s6 =	sld [smem:$0x3FB4]  }
0x2c: {  	s7 =	sld [smem:$0x3FB5]  }
0x2d: {  	s3 =	simm.s32 $0x108;
	s8 =	sld [smem:$0x3FB6]  }
0x2e: {  	s3 =	simm.s32 @!p0 $0x1082;
	s9 =	sld [smem:$0x3FB7]  }
0x2f: {  	lr =	sadd.s32 s0, s3;
	s0 =	sld [smem:$0x3FAE]  }
0x30: {  	s3 =	sld [smem:$0x3FB1]  }
0x31: {  	[smem:$0x3FBA] =	sst s10  }
0x32: {  	s10 =	sld [smem:$0x3FB8];
	_ =	sdelay $0x3  }
0x33: {  	p0 =	seq.s32 s10, $0x1;
	s10 =	sld [smem:$0x3FBA];
	_ =	sdelay $0x3  }
0x34: {  	[smem:$0x3FBA] =	sst s10  }
0x35: {  	s10 =	sld [smem:$0x3FB9];
	_ =	sdelay $0x3  }
0x36: {  	p1 =	seq.s32 s10, $0x1;
	s10 =	sld [smem:$0x3FBA];
	_ =	sdelay $0x3  }
0x37: {  	[smem:$0x3FBA] =	sst s10  }
0x38: {  	s10 =	sld [smem:$0x3FBB]  }
0x39: {  	_ = 	snop;
	(pc) =	sbr.ind lr, $3  }
0x3a: {  	_ = 	snop  }
0x3b: {  	_ = 	snop  }
0x3c: {  	p2 =	seq.s32 s10, $0x1;
	s10 =	sld [smem:$0x3FBA]  }
0x3d: {  	_ =	shalt  }
0x3e: {  	_ =	shalt  }
0x3f: {  	_ =	shalt  }
0x40: {  	_ =	shalt  }
0x41: {  	_ =	shalt  }
0x42: {  	_ =	shalt  }
0x43: {  	_ =	shalt  }
0x44: {  	_ =	shalt  }
0x45: {  	_ =	shalt  }
0x46: {  	_ =	shalt  }
0x47: {  	_ =	shalt  }
0x48: {  	_ =	shalt  }
0x49: {  	_ =	shalt  }
0x4a: {  	_ =	shalt  }
0x4b: {  	_ =	shalt  }
0x4c: {  	_ =	shalt  }
0x4d: {  	_ =	shalt  }
0x4e: {  	_ =	shalt  }
0x4f: {  	_ =	shalt  }
0x50: {  	_ =	shalt  }
0x51: {  	_ =	shalt  }
0x52: {  	_ =	shalt  }
0x53: {  	_ =	shalt  }
0x54: {  	_ =	shalt  }
0x55: {  	_ =	shalt  }
0x56: {  	_ =	shalt  }
0x57: {  	_ =	shalt  }
0x58: {  	_ =	shalt  }
0x59: {  	_ =	shalt  }
0x5a: {  	_ =	shalt  }
0x5b: {  	_ =	shalt  }
0x5c: {  	_ =	shalt  }
0x5d: {  	_ =	shalt  }
0x5e: {  	_ =	shalt  }
0x5f: {  	_ =	shalt  }
0x60: {  	_ =	shalt  }
0x61: {  	_ =	shalt  }
0x62: {  	_ =	shalt  }
0x63: {  	_ =	shalt  }
0x64: {  	_ =	shalt  }
0x65: {  	_ =	shalt  }
0x66: {  	_ =	shalt  }
0x67: {  	_ =	shalt  }
0x68: {  	_ =	shalt  }
0x69: {  	_ =	shalt  }
0x6a: {  	_ =	shalt  }
0x6b: {  	_ =	shalt  }
0x6c: {  	_ =	shalt  }
0x6d: {  	_ =	shalt  }
0x6e: {  	_ =	shalt  }
0x6f: {  	_ =	shalt  }
0x70: {  	_ =	shalt  }
0x71: {  	_ =	shalt  }
0x72: {  	_ =	shalt  }
0x73: {  	_ =	shalt  }
0x74: {  	_ =	shalt  }
0x75: {  	_ =	shalt  }
0x76: {  	_ =	shalt  }
0x77: {  	_ =	shalt  }
0x78: {  	_ =	shalt  }
0x79: {  	_ =	shalt  }
0x7a: {  	_ =	shalt  }
0x7b: {  	_ =	shalt  }
0x7c: {  	_ =	shalt  }
0x7d: {  	_ =	shalt  }
0x7e: {  	_ =	shalt  }
0x7f: {  	_ =	shalt  }
0x80: {  	_ =	shalt  }
0x81: {  	_ =	shalt  }
0x82: {  	_ =	shalt  }
0x83: {  	_ =	shalt  }
0x84: {  	_ =	shalt  }
0x85: {  	_ =	shalt  }
0x86: {  	_ =	shalt  }
0x87: {  	_ =	shalt  }
.Lfunc_end0:
.L_simem_size_0:
called_computation_lowered:
.L_overlay_start_0:
0x88: {  	s2 =	sld [smem:$0x3FD9]  }
0x89: {  	s3 =	sld [smem:$0x3FFE];
	_ =	sdelay $0x1  }
0x8a: {  	s1 =	srdreg.scid  }
0x8b: {  	s0 =	sand.u32 $0x1, s1  }
0x8c: {  	s15 =	sshll.u32 s0, $0xA;
	s2 =	sadd.s32 s3, s2  }
0x8d: {  	s2 =	sadd.s32 s2, s15  }
0x8e: {  	[smem:$0x3FC6] =	sst s2  }
0x8f: {  	_ = 	snop  }
0x90: {  	s2 =	sld [smem:$0x3FD0];
	_ =	sdelay $0x2  }
0x91: {  	s4 =	simm.s32 $0xA;
	s5 =	simm.s32 $0x10;
	s16 =	sld [smem:$0x3FC9]  }
0x92: {  	[smem:s5], [sflag:s4] =	dma.local [hbm:s2], $0x1  }
0x93: {  	_ =	swait.eq [sflag:s4], $0x1  }
0x94: {  	[sflag:s4] =	ssyncset.done $0x0  }
0x95: {  	[sflag:s4] =	ssyncadd.s32 $0xFFFFFFFF  }
0x96: {  	s17 =	sld [smem:$0x12];
	(tm) =	ssettm $0x1  }
0x97: {  	s18 =	sld [smem:$0x3FFB];
	_ =	sdelay $0x3  }
0x98: {  	_ =	strace s18  }
0x99: {  	s4 =	sld [smem:$0x3FFC];
	_ =	sdelay $0x3  }
0x9a: {  	_ =	strace s4  }
0x9b: {  	s4 =	sld [smem:$0x3FFD];
	_ =	sdelay $0x3  }
0x9c: {  	_ =	strace s4  }
0x9d: {  	_ =	strace $0x8FFFFFFF  }
0x9e: {  	s19 =	sld [smem:$0x3FDB];
	_ =	sdelay $0x1  }
0x9f: {  	s20 =	simm.s32 $_scs_section_size  }
0xa0: {  	s6 =	simm.s32 $_size__tile_overlayer_lowered;
	s7 =	simm.s32 $_tile_overlayer_lowered  }
0xa1: {  	s23 =	simm.s32 $0x1BFF;
	s22 =	sshll.u32 s7, $0x1;
	s4 =	sadd.s32 s20, s19  }
0xa2: {  	s8 =	simm.s32 $0x0;
	s21 =	sshll.u32 s6, $0x1;
	s6 =	sadd.s32 s22, s4  }
0xa3: {  	[timem:s8], [sflag:s23] =	dma.local [hbm:s6], s21  }
0xa4: {  	_ =	swait.ge [sflag:s23], s21  }
0xa5: {  	s5 =	ssub.s32 $0x0, s21;
	[sflag:s23] =	ssyncset.done $0x0  }
0xa6: {  	[sflag:s23] =	ssyncadd.s32 s5;
	_ =	sdelay $0x1  }
0xa7: {  	s24 =	simm.s32 $0x1B8B  }
0xa8: {  	_ =	swait.ge [sflag:s24], $0x1  }
0xa9: {  	[sflag:s24] =	ssyncset.done $0x0  }
0xaa: {  	s25 =	simm.s32 $0x1B8E;
	[sflag:s24] =	ssyncadd.s32 $0xFFFFFFFF  }
0xab: {  	s26 =	simm.s32 $execute0_lowered;
	[smem:$0x3FD2] =	sst s25  }
0xac: {  	s5 =	sshll.u32 s26, $0x1;
	_ =	strace $0x80000046;
	[dreg:$0x1] =	wrdreg $0xFFFFFFFF  }
0xad: {  	s28 =	simm.s32 $_size_execute0_lowered;
	s4 =	sadd.s32 s4, s5;
	[dreg:$0x0] =	wrdreg $0x0  }
0xae: {  	s5 =	sshll.u32 s28, $0x1;
	[dreg:$0x2] =	wrdreg s4  }
0xaf: {  	[dreg:$0x3] =	wrdreg s5  }
0xb0: {  	[dreg:$0x4] =	wrdreg $0xC0  }
0xb1: {  	_ =	task [dreg:s8], $0x5FFFF  }
0xb2: {  	[dreg:$0x1] =	wrdreg $0xFFFFFFFF  }
0xb3: {  	[dreg:$0x0] =	wrdreg $0x60  }
0xb4: {  	[dreg:$0x2] =	wrdreg s16  }
0xb5: {  	[dreg:$0x3] =	wrdreg s17  }
0xb6: {  	[dreg:$0x4] =	wrdreg $0x54800  }
0xb7: {  	[dreg:$0x5] =	wrdreg $0x9  }
0xb8: {  	_ =	task.clear_ibuf [dreg:s8], $0x6FFFF;
	_ =	strace $0x90000046  }
0xb9: {  	s29 =	simm.s32 $0x9;
	_ =	strace $0x80000048  }
0xba: {  	_ =	swait.ge [sflag:s29], $0x1  }
0xbb: {  	[sflag:s29] =	ssyncadd.s32 $0xFFFFFFFF  }
0xbc: {  	_ =	strace $0x90000048  }
0xbd: {  	_ =	sfence  }
0xbe: {  	s30 =	sld [smem:$0x0];
	_ =	sdelay $0x2  }
0xbf: {  	s31 =	sshll.u32 s1, $0xD;
	s1 =	sshrl.u32 s1, $0x2  }
0xc0: {  	s3 =	sand.u32 $0x4000, s31;
	s1 =	sadd.s32 s1, s30  }
0xc1: {  	s0 =	sor.u32 s3, s0;
	s1 =	sshll.u32 s1, $0x11  }
0xc2: {  	s0 =	sor.u32 s1, s0  }
0xc3: {  	s0 =	sadd.s32 $0x8F2B, s0  }
0xc4: {  	[sflag:s0] =	ssyncadd.remote.s32 $0x1  }
0xc5: {  	_ =	sfence.sel $0xFFFF  }
0xc6: {  	[dreg:$0x0] =	wrdreg $0xFFFFFFFF;
	(pc) =	sbr.abs _section_cstart, $3  }
0xc7: {  	[dreg:$0x1] =	wrdreg $0xFFFFFFFF  }
0xc8: {  	_ =	task.clear_ibuf [dreg:s8], $0x2FFFF;
	_ =	strace $0x9FFFFFFF  }
0xc9: {  	(tm) =	ssettm $0x7FFFFFFF  }
tec
execute0_lowered:
.L_overlay_start_1:
0x0: {  	(tag) =	ssettag $0x1  }
0x1: {  	s0 =	rddreg [dreg:$0x0]  }
0x2: {  	s21 =	rddreg [dreg:$0x1]  }
0x3: {  	s3 =	rddreg [dreg:$0x2]  }
0x4: {  	s2 =	simm.s32 $0x0;
	s4 =	srdreg.scid;
	s1 =	stileid.u32  }
0x5: {  	s28 =	simm.s32 $0x5200;
	s29 =	simm.s32 $0x100;
	s30 =	simm.s32 $0x4F80  }
0x6: {  	[smem:$0x7FF] =	sst s2;
	s17 =	sand.u32 $0x1, s4;
	s8 =	smul.u32 $0x5000, s1  }
0x7: {  	s22 =	sshrl.u32 s1, $0x3;
	s24 =	sshll.u32 s1, $0x7;
	s31 =	smul.u32 $0x500, s1  }
0x8: {  	s5 =	ssub.s32 $0x2, s17;
	s6 =	sshll.u32 s17, $0x4;
	s4 =	smul.u32 $0x50000, s22  }
0x9: {  	_ =	strace $0x80000047;
	s19 =	sshll.u32 s17, $0x7;
	s7 =	sshrl.u32 s5, $0x1  }
0xa: {  	s6 =	sor.u32 s1, s6;
	s25 =	sshrl.u32 s8, $0x2;
	s22 =	ssub.s32 s5, s7  }
0xb: {  	s23 =	smul.u32 $0x4F0, s6;
	s4 =	sshrl.u32 s4, $0x2;
	s6 =	sand.u32 $0x380, s24  }
0xc: {  	s24 =	simm.s32 $0x2780;
	s26 =	sadd.s32 s4, s3;
	s3 =	sadd.s32 s25, s3  }
0xd: {  	s22 =	smax.u32 s22, $0x1;
	s25 =	simm.s32 $0x80;
	s4 =	sadd.s32 s0, s23  }
0xe: {  	s5 =	sadd.s32 s6, s26;
	s6 =	sadd.s32 $0x80, s3;
	s7 =	sadd.s32 $0x100, s3  }
0xf: {  	s8 =	sadd.s32 $0x180, s3;
	s9 =	sadd.s32 $0x200, s3;
	s10 =	sadd.s32 $0x280, s3  }
0x10: {  	s11 =	sadd.s32 $0x300, s3;
	s12 =	sadd.s32 $0x380, s3;
	s13 =	sadd.s32 $0x14000, s3  }
0x11: {  	s14 =	sadd.s32 $0x14080, s3;
	s15 =	sadd.s32 $0x14100, s3;
	s16 =	sadd.s32 $0x14180, s3  }
0x12: {  	s17 =	sadd.s32 $0x14200, s3;
	s18 =	sadd.s32 $0x14280, s3;
	s0 =	sor.u32 s19, s31  }
0x13: {  	s19 =	sadd.s32 $0x14300, s3;
	s20 =	sadd.s32 $0x14380, s3;
	s0 =	sshrl.u32 s0, $0x3  }
0x14: {  	v0 =	vimm.f32 $0.0e+00;
	v1 =	vimm.f32 $1.000000000e+00;
	s23 =	simm.s32 $0x1;
	s26 =	simm.s32 $0x400;
	s21 =	sadd.s32 s21, s0  }
.LBB2_1:
0x15: {  	s0 =	simm.s32 $0x40;
	s31 =	simm.s32 $0x0  }
.LBB2_2:
0x16: {  	p0 =	sne.s32 s0, $0x9FC0;
	[tilespmem:s31+$0x2780] =	vst v0;
	s31 =	smov.u32 s0;
	s0 =	sadd.s32 $0x40, s0  }
.Ltmp0:
0x17: {  	(pc) =	sbr.rel @p0 .LBB2_2-.Ltmp0, $2  }
0x18: {  	_ =	sdelay $0x2  }
0x19: {  	s31 =	sshra.s32 s31, $0x2  }
0x1a: {  	[tilespmem:s31+$0x2780] =	vst v0;
	s0 =	simm.s32 $0x0  }
0x1b: {  	[tilespmem:s0], [sflag:$0x1] =	stream.linear.gather [hbm4b:s4+s0], $0x2780, $0x38;
	[tilespmem:$0x7C80] =	vst v63  }
0x1c: {  	_ =	swait.ge [sflag:s23], $0x2780  }
0x1d: {  	[sflag:s23] =	ssyncset.done $0x0  }
0x1e: {  	s31 =	simm.s32 $0x0;
	s0 =	simm.s32 $0x40;
	[sflag:s23] =	ssyncadd.s32 $0xFFFFD880  }
.LBB2_4:
0x1f: {  	p0 =	sne.s32 s0, $0x9DC0;
	v2 =	vld [tilespmem:s31+$0x0];
	_ =	sdelay $0x3  }
.Ltmp1:
0x20: {  	(pc) =	sbr.rel @p0 .LBB2_4-.Ltmp1, $2  }
0x21: {  	_ =	sdelay $0x2  }
0x22: {  	s31 =	sshra.s32 s0, $0x2;
	s0 =	sadd.s32 $0x40, s0;
	[tilespmem:v2+s24+$0x0] =	vst.idx.add.f32.msk $0xffff, v1  }
0x23: {  	v2 =	vld [tilespmem:s31+$0x0];
	_ =	sdelay $0x7  }
0x24: {  	[tilespmem:v2+s24+$0x0] =	vst.idx.add.f32.msk $0xffff, v1  }
0x25: {  	[spmem:s5] =	stream.strided.scatter [tilespmem:s24], [sflag:$0x1], $0x2800, s26, s25, $0x38;
	[tilespmem:$0x7C80] =	vst v63  }
0x26: {  	_ =	swait.ge [sflag:s23], $0x2800  }
0x27: {  	[sflag:s23] =	ssyncset.done $0x0  }
0x28: {  	[sflag:s23] =	ssyncadd.s32 $0xFFFFD800  }
0x29: {  	[bflag:$0x0] =	sbarrier.arrive $0xFFFF  }
0x2a: {  	[tilespmem:$0x4F80] =	vst v0  }
0x2b: {  	[tilespmem:$0x4F90] =	vst v0  }
0x2c: {  	[tilespmem:$0x4FA0] =	vst v0  }
0x2d: {  	[tilespmem:$0x4FB0] =	vst v0  }
0x2e: {  	[tilespmem:$0x4FC0] =	vst v0  }
0x2f: {  	[tilespmem:$0x4FD0] =	vst v0  }
0x30: {  	[tilespmem:$0x4FE0] =	vst v0  }
0x31: {  	[tilespmem:$0x4FF0] =	vst v0  }
0x32: {  	[tilespmem:$0x5000] =	vst v0  }
0x33: {  	[tilespmem:$0x5010] =	vst v0  }
0x34: {  	[tilespmem:$0x5020] =	vst v0  }
0x35: {  	[tilespmem:$0x5030] =	vst v0  }
0x36: {  	[tilespmem:$0x5040] =	vst v0  }
0x37: {  	[tilespmem:$0x5050] =	vst v0  }
0x38: {  	[tilespmem:$0x5060] =	vst v0  }
0x39: {  	[tilespmem:$0x5070] =	vst v0  }
0x3a: {  	[tilespmem:$0x5080] =	vst v0  }
0x3b: {  	[tilespmem:$0x5090] =	vst v0  }
0x3c: {  	[tilespmem:$0x50A0] =	vst v0  }
0x3d: {  	[tilespmem:$0x50B0] =	vst v0  }
0x3e: {  	[tilespmem:$0x50C0] =	vst v0  }
0x3f: {  	[tilespmem:$0x50D0] =	vst v0  }
0x40: {  	[tilespmem:$0x50E0] =	vst v0  }
0x41: {  	[tilespmem:$0x50F0] =	vst v0  }
0x42: {  	[tilespmem:$0x5100] =	vst v0  }
0x43: {  	[tilespmem:$0x5110] =	vst v0  }
0x44: {  	[tilespmem:$0x5120] =	vst v0  }
0x45: {  	[tilespmem:$0x5130] =	vst v0  }
0x46: {  	[tilespmem:$0x5140] =	vst v0  }
0x47: {  	[tilespmem:$0x5150] =	vst v0  }
0x48: {  	[tilespmem:$0x5160] =	vst v0  }
0x49: {  	[tilespmem:$0x5170] =	vst v0  }
0x4a: {  	[tilespmem:$0x5180] =	vst v0  }
0x4b: {  	[tilespmem:$0x5190] =	vst v0  }
0x4c: {  	[tilespmem:$0x51A0] =	vst v0  }
0x4d: {  	[tilespmem:$0x51B0] =	vst v0  }
0x4e: {  	[tilespmem:$0x51C0] =	vst v0  }
0x4f: {  	[tilespmem:$0x51D0] =	vst v0  }
0x50: {  	[tilespmem:$0x51E0] =	vst v0  }
0x51: {  	[tilespmem:$0x51F0] =	vst v0  }
0x52: {  	[tilespmem:s28], [sflag:$0x1] =	stream.strided.gather [spmem:s3], $0x280, s26, s25, $0x38;
	[tilespmem:$0x7C80] =	vst v63  }
0x53: {  	_ =	swait.ge [sflag:s23], $0x280  }
0x54: {  	[sflag:s23] =	ssyncset.done $0x0  }
0x55: {  	s31 =	simm.s32 $0x0;
	[sflag:s23] =	ssyncadd.s32 $0xFFFFFD80  }
0x56: {  	s0 =	simm.s32 $0x40;
	v2 =	vld [tilespmem:s31+$0x5200]  }
.LBB2_6:
0x57: {  	p0 =	sne.s32 s0, $0x9C0;
	v3 =	vld [tilespmem:s31+$0x4F80];
	_ =	sdelay $0x2  }
.Ltmp2:
0x58: {  	(pc) =	sbr.rel @p0 .LBB2_6-.Ltmp2, $4  }
0x59: {  	_ = 	snop  }
0x5a: {  	v3 =	vadd.f32 v2, v3  }
0x5b: {  	s1 =	sshra.s32 s0, $0x2  }
0x5c: {  	s0 =	sadd.s32 $0x40, s0;
	v2 =	vld [tilespmem:s1+$0x5200];
	[tilespmem:s31+$0x4F80] =	vst v3;
	s31 =	smov.u32 s1  }
0x5d: {  	v3 =	vld [tilespmem:s31+$0x4F80];
	_ =	sdelay $0x4  }
0x5e: {  	v2 =	vadd.f32 v2, v3;
	_ =	sdelay $0x1  }
0x5f: {  	[tilespmem:s31+$0x4F80] =	vst v2  }
0x60: {  	[tilespmem:s28], [sflag:$0x1] =	stream.strided.gather [spmem:s6], $0x280, s26, s25, $0x38;
	[tilespmem:$0x7C80] =	vst v63  }
0x61: {  	_ =	swait.ge [sflag:s23], $0x280  }
0x62: {  	[sflag:s23] =	ssyncset.done $0x0  }
0x63: {  	s31 =	simm.s32 $0x0;
	[sflag:s23] =	ssyncadd.s32 $0xFFFFFD80  }
0x64: {  	s0 =	simm.s32 $0x40;
	v2 =	vld [tilespmem:s31+$0x5200]  }
.LBB2_8:
0x65: {  	p0 =	sne.s32 s0, $0x9C0;
	v3 =	vld [tilespmem:s31+$0x4F80];
	_ =	sdelay $0x2  }
.Ltmp3:
0x66: {  	(pc) =	sbr.rel @p0 .LBB2_8-.Ltmp3, $4  }
0x67: {  	_ = 	snop  }
0x68: {  	v3 =	vadd.f32 v2, v3  }
0x69: {  	s1 =	sshra.s32 s0, $0x2  }
0x6a: {  	s0 =	sadd.s32 $0x40, s0;
	v2 =	vld [tilespmem:s1+$0x5200];
	[tilespmem:s31+$0x4F80] =	vst v3;
	s31 =	smov.u32 s1  }
0x6b: {  	v3 =	vld [tilespmem:s31+$0x4F80];
	_ =	sdelay $0x4  }
0x6c: {  	v2 =	vadd.f32 v2, v3;
	_ =	sdelay $0x1  }
0x6d: {  	[tilespmem:s31+$0x4F80] =	vst v2  }
0x6e: {  	[tilespmem:s28], [sflag:$0x1] =	stream.strided.gather [spmem:s7], $0x280, s26, s25, $0x38;
	[tilespmem:$0x7C80] =	vst v63  }
0x6f: {  	_ =	swait.ge [sflag:s23], $0x280  }
0x70: {  	[sflag:s23] =	ssyncset.done $0x0  }
0x71: {  	s31 =	simm.s32 $0x0;
	[sflag:s23] =	ssyncadd.s32 $0xFFFFFD80  }
0x72: {  	s0 =	simm.s32 $0x40;
	v2 =	vld [tilespmem:s31+$0x5200]  }
.LBB2_10:
0x73: {  	p0 =	sne.s32 s0, $0x9C0;
	v3 =	vld [tilespmem:s31+$0x4F80];
	_ =	sdelay $0x2  }
.Ltmp4:
0x74: {  	(pc) =	sbr.rel @p0 .LBB2_10-.Ltmp4, $4  }
0x75: {  	_ = 	snop  }
0x76: {  	v3 =	vadd.f32 v2, v3  }
0x77: {  	s1 =	sshra.s32 s0, $0x2  }
0x78: {  	s0 =	sadd.s32 $0x40, s0;
	v2 =	vld [tilespmem:s1+$0x5200];
	[tilespmem:s31+$0x4F80] =	vst v3;
	s31 =	smov.u32 s1  }
0x79: {  	v3 =	vld [tilespmem:s31+$0x4F80];
	_ =	sdelay $0x4  }
0x7a: {  	v2 =	vadd.f32 v2, v3;
	_ =	sdelay $0x1  }
0x7b: {  	[tilespmem:s31+$0x4F80] =	vst v2  }
0x7c: {  	[tilespmem:s28], [sflag:$0x1] =	stream.strided.gather [spmem:s8], $0x280, s26, s25, $0x38;
	[tilespmem:$0x7C80] =	vst v63  }
0x7d: {  	_ =	swait.ge [sflag:s23], $0x280  }
0x7e: {  	[sflag:s23] =	ssyncset.done $0x0  }
0x7f: {  	s31 =	simm.s32 $0x0;
	[sflag:s23] =	ssyncadd.s32 $0xFFFFFD80  }
0x80: {  	s0 =	simm.s32 $0x40;
	v2 =	vld [tilespmem:s31+$0x5200]  }
.LBB2_12:
0x81: {  	p0 =	sne.s32 s0, $0x9C0;
	v3 =	vld [tilespmem:s31+$0x4F80];
	_ =	sdelay $0x2  }
.Ltmp5:
0x82: {  	(pc) =	sbr.rel @p0 .LBB2_12-.Ltmp5, $4  }
0x83: {  	_ = 	snop  }
0x84: {  	v3 =	vadd.f32 v2, v3  }
0x85: {  	s1 =	sshra.s32 s0, $0x2  }
0x86: {  	s0 =	sadd.s32 $0x40, s0;
	v2 =	vld [tilespmem:s1+$0x5200];
	[tilespmem:s31+$0x4F80] =	vst v3;
	s31 =	smov.u32 s1  }
0x87: {  	v3 =	vld [tilespmem:s31+$0x4F80];
	_ =	sdelay $0x4  }
0x88: {  	v2 =	vadd.f32 v2, v3;
	_ =	sdelay $0x1  }
0x89: {  	[tilespmem:s31+$0x4F80] =	vst v2  }
0x8a: {  	[tilespmem:s28], [sflag:$0x1] =	stream.strided.gather [spmem:s9], $0x280, s26, s25, $0x38;
	[tilespmem:$0x7C80] =	vst v63  }
0x8b: {  	_ =	swait.ge [sflag:s23], $0x280  }
0x8c: {  	[sflag:s23] =	ssyncset.done $0x0  }
0x8d: {  	s31 =	simm.s32 $0x0;
	[sflag:s23] =	ssyncadd.s32 $0xFFFFFD80  }
0x8e: {  	s0 =	simm.s32 $0x40;
	v2 =	vld [tilespmem:s31+$0x5200]  }
.LBB2_14:
0x8f: {  	p0 =	sne.s32 s0, $0x9C0;
	v3 =	vld [tilespmem:s31+$0x4F80];
	_ =	sdelay $0x2  }
.Ltmp6:
0x90: {  	(pc) =	sbr.rel @p0 .LBB2_14-.Ltmp6, $4  }
0x91: {  	_ = 	snop  }
0x92: {  	v3 =	vadd.f32 v2, v3  }
0x93: {  	s1 =	sshra.s32 s0, $0x2  }
0x94: {  	s0 =	sadd.s32 $0x40, s0;
	v2 =	vld [tilespmem:s1+$0x5200];
	[tilespmem:s31+$0x4F80] =	vst v3;
	s31 =	smov.u32 s1  }
0x95: {  	v3 =	vld [tilespmem:s31+$0x4F80];
	_ =	sdelay $0x4  }
0x96: {  	v2 =	vadd.f32 v2, v3;
	_ =	sdelay $0x1  }
0x97: {  	[tilespmem:s31+$0x4F80] =	vst v2  }
0x98: {  	[tilespmem:s28], [sflag:$0x1] =	stream.strided.gather [spmem:s10], $0x280, s26, s25, $0x38;
	[tilespmem:$0x7C80] =	vst v63  }
0x99: {  	_ =	swait.ge [sflag:s23], $0x280  }
0x9a: {  	[sflag:s23] =	ssyncset.done $0x0  }
0x9b: {  	s31 =	simm.s32 $0x0;
	[sflag:s23] =	ssyncadd.s32 $0xFFFFFD80  }
0x9c: {  	s0 =	simm.s32 $0x40;
	v2 =	vld [tilespmem:s31+$0x5200]  }
.LBB2_16:
0x9d: {  	p0 =	sne.s32 s0, $0x9C0;
	v3 =	vld [tilespmem:s31+$0x4F80];
	_ =	sdelay $0x2  }
.Ltmp7:
0x9e: {  	(pc) =	sbr.rel @p0 .LBB2_16-.Ltmp7, $4  }
0x9f: {  	_ = 	snop  }
0xa0: {  	v3 =	vadd.f32 v2, v3  }
0xa1: {  	s1 =	sshra.s32 s0, $0x2  }
0xa2: {  	s0 =	sadd.s32 $0x40, s0;
	v2 =	vld [tilespmem:s1+$0x5200];
	[tilespmem:s31+$0x4F80] =	vst v3;
	s31 =	smov.u32 s1  }
0xa3: {  	v3 =	vld [tilespmem:s31+$0x4F80];
	_ =	sdelay $0x4  }
0xa4: {  	v2 =	vadd.f32 v2, v3;
	_ =	sdelay $0x1  }
0xa5: {  	[tilespmem:s31+$0x4F80] =	vst v2  }
0xa6: {  	[tilespmem:s28], [sflag:$0x1] =	stream.strided.gather [spmem:s11], $0x280, s26, s25, $0x38;
	[tilespmem:$0x7C80] =	vst v63  }
0xa7: {  	_ =	swait.ge [sflag:s23], $0x280  }
0xa8: {  	[sflag:s23] =	ssyncset.done $0x0  }
0xa9: {  	s31 =	simm.s32 $0x0;
	[sflag:s23] =	ssyncadd.s32 $0xFFFFFD80  }
0xaa: {  	s0 =	simm.s32 $0x40;
	v2 =	vld [tilespmem:s31+$0x5200]  }
.LBB2_18:
0xab: {  	p0 =	sne.s32 s0, $0x9C0;
	v3 =	vld [tilespmem:s31+$0x4F80];
	_ =	sdelay $0x2  }
.Ltmp8:
0xac: {  	(pc) =	sbr.rel @p0 .LBB2_18-.Ltmp8, $4  }
0xad: {  	_ = 	snop  }
0xae: {  	v3 =	vadd.f32 v2, v3  }
0xaf: {  	s1 =	sshra.s32 s0, $0x2  }
0xb0: {  	s0 =	sadd.s32 $0x40, s0;
	v2 =	vld [tilespmem:s1+$0x5200];
	[tilespmem:s31+$0x4F80] =	vst v3;
	s31 =	smov.u32 s1  }
0xb1: {  	v3 =	vld [tilespmem:s31+$0x4F80];
	_ =	sdelay $0x4  }
0xb2: {  	v2 =	vadd.f32 v2, v3;
	_ =	sdelay $0x1  }
0xb3: {  	[tilespmem:s31+$0x4F80] =	vst v2  }
0xb4: {  	[tilespmem:s28], [sflag:$0x1] =	stream.strided.gather [spmem:s12], $0x280, s26, s25, $0x38;
	[tilespmem:$0x7C80] =	vst v63  }
0xb5: {  	_ =	swait.ge [sflag:s23], $0x280  }
0xb6: {  	[sflag:s23] =	ssyncset.done $0x0  }
0xb7: {  	s31 =	simm.s32 $0x0;
	[sflag:s23] =	ssyncadd.s32 $0xFFFFFD80  }
0xb8: {  	s0 =	simm.s32 $0x40;
	v2 =	vld [tilespmem:s31+$0x5200]  }
.LBB2_20:
0xb9: {  	p0 =	sne.s32 s0, $0x9C0;
	v3 =	vld [tilespmem:s31+$0x4F80];
	_ =	sdelay $0x2  }
.Ltmp9:
0xba: {  	(pc) =	sbr.rel @p0 .LBB2_20-.Ltmp9, $4  }
0xbb: {  	_ = 	snop  }
0xbc: {  	v3 =	vadd.f32 v2, v3  }
0xbd: {  	s1 =	sshra.s32 s0, $0x2  }
0xbe: {  	s0 =	sadd.s32 $0x40, s0;
	v2 =	vld [tilespmem:s1+$0x5200];
	[tilespmem:s31+$0x4F80] =	vst v3;
	s31 =	smov.u32 s1  }
0xbf: {  	v3 =	vld [tilespmem:s31+$0x4F80];
	_ =	sdelay $0x4  }
0xc0: {  	v2 =	vadd.f32 v2, v3;
	_ =	sdelay $0x1  }
0xc1: {  	[tilespmem:s31+$0x4F80] =	vst v2  }
0xc2: {  	[tilespmem:s28], [sflag:$0x1] =	stream.strided.gather [spmem:s13], $0x280, s26, s25, $0x38;
	[tilespmem:$0x7C80] =	vst v63  }
0xc3: {  	_ =	swait.ge [sflag:s23], $0x280  }
0xc4: {  	[sflag:s23] =	ssyncset.done $0x0  }
0xc5: {  	s31 =	simm.s32 $0x0;
	[sflag:s23] =	ssyncadd.s32 $0xFFFFFD80  }
0xc6: {  	s0 =	simm.s32 $0x40;
	v2 =	vld [tilespmem:s31+$0x5200]  }
.LBB2_22:
0xc7: {  	p0 =	sne.s32 s0, $0x9C0;
	v3 =	vld [tilespmem:s31+$0x4F80];
	_ =	sdelay $0x2  }
.Ltmp10:
0xc8: {  	(pc) =	sbr.rel @p0 .LBB2_22-.Ltmp10, $4  }
0xc9: {  	_ = 	snop  }
0xca: {  	v3 =	vadd.f32 v2, v3  }
0xcb: {  	s1 =	sshra.s32 s0, $0x2  }
0xcc: {  	s0 =	sadd.s32 $0x40, s0;
	v2 =	vld [tilespmem:s1+$0x5200];
	[tilespmem:s31+$0x4F80] =	vst v3;
	s31 =	smov.u32 s1  }
0xcd: {  	v3 =	vld [tilespmem:s31+$0x4F80];
	_ =	sdelay $0x4  }
0xce: {  	v2 =	vadd.f32 v2, v3;
	_ =	sdelay $0x1  }
0xcf: {  	[tilespmem:s31+$0x4F80] =	vst v2  }
0xd0: {  	[tilespmem:s28], [sflag:$0x1] =	stream.strided.gather [spmem:s14], $0x280, s26, s25, $0x38;
	[tilespmem:$0x7C80] =	vst v63  }
0xd1: {  	_ =	swait.ge [sflag:s23], $0x280  }
0xd2: {  	[sflag:s23] =	ssyncset.done $0x0  }
0xd3: {  	s31 =	simm.s32 $0x0;
	[sflag:s23] =	ssyncadd.s32 $0xFFFFFD80  }
0xd4: {  	s0 =	simm.s32 $0x40;
	v2 =	vld [tilespmem:s31+$0x5200]  }
.LBB2_24:
0xd5: {  	p0 =	sne.s32 s0, $0x9C0;
	v3 =	vld [tilespmem:s31+$0x4F80];
	_ =	sdelay $0x2  }
.Ltmp11:
0xd6: {  	(pc) =	sbr.rel @p0 .LBB2_24-.Ltmp11, $4  }
0xd7: {  	_ = 	snop  }
0xd8: {  	v3 =	vadd.f32 v2, v3  }
0xd9: {  	s1 =	sshra.s32 s0, $0x2  }
0xda: {  	s0 =	sadd.s32 $0x40, s0;
	v2 =	vld [tilespmem:s1+$0x5200];
	[tilespmem:s31+$0x4F80] =	vst v3;
	s31 =	smov.u32 s1  }
0xdb: {  	v3 =	vld [tilespmem:s31+$0x4F80];
	_ =	sdelay $0x4  }
0xdc: {  	v2 =	vadd.f32 v2, v3;
	_ =	sdelay $0x1  }
0xdd: {  	[tilespmem:s31+$0x4F80] =	vst v2  }
0xde: {  	[tilespmem:s28], [sflag:$0x1] =	stream.strided.gather [spmem:s15], $0x280, s26, s25, $0x38;
	[tilespmem:$0x7C80] =	vst v63  }
0xdf: {  	_ =	swait.ge [sflag:s23], $0x280  }
0xe0: {  	[sflag:s23] =	ssyncset.done $0x0  }
0xe1: {  	s31 =	simm.s32 $0x0;
	[sflag:s23] =	ssyncadd.s32 $0xFFFFFD80  }
0xe2: {  	s0 =	simm.s32 $0x40;
	v2 =	vld [tilespmem:s31+$0x5200]  }
.LBB2_26:
0xe3: {  	p0 =	sne.s32 s0, $0x9C0;
	v3 =	vld [tilespmem:s31+$0x4F80];
	_ =	sdelay $0x2  }
.Ltmp12:
0xe4: {  	(pc) =	sbr.rel @p0 .LBB2_26-.Ltmp12, $4  }
0xe5: {  	_ = 	snop  }
0xe6: {  	v3 =	vadd.f32 v2, v3  }
0xe7: {  	s1 =	sshra.s32 s0, $0x2  }
0xe8: {  	s0 =	sadd.s32 $0x40, s0;
	v2 =	vld [tilespmem:s1+$0x5200];
	[tilespmem:s31+$0x4F80] =	vst v3;
	s31 =	smov.u32 s1  }
0xe9: {  	v3 =	vld [tilespmem:s31+$0x4F80];
	_ =	sdelay $0x4  }
0xea: {  	v2 =	vadd.f32 v2, v3;
	_ =	sdelay $0x1  }
0xeb: {  	[tilespmem:s31+$0x4F80] =	vst v2  }
0xec: {  	[tilespmem:s28], [sflag:$0x1] =	stream.strided.gather [spmem:s16], $0x280, s26, s25, $0x38;
	[tilespmem:$0x7C80] =	vst v63  }
0xed: {  	_ =	swait.ge [sflag:s23], $0x280  }
0xee: {  	[sflag:s23] =	ssyncset.done $0x0  }
0xef: {  	s31 =	simm.s32 $0x0;
	[sflag:s23] =	ssyncadd.s32 $0xFFFFFD80  }
0xf0: {  	s0 =	simm.s32 $0x40;
	v2 =	vld [tilespmem:s31+$0x5200]  }
.LBB2_28:
0xf1: {  	p0 =	sne.s32 s0, $0x9C0;
	v3 =	vld [tilespmem:s31+$0x4F80];
	_ =	sdelay $0x2  }
.Ltmp13:
0xf2: {  	(pc) =	sbr.rel @p0 .LBB2_28-.Ltmp13, $4  }
0xf3: {  	_ = 	snop  }
0xf4: {  	v3 =	vadd.f32 v2, v3  }
0xf5: {  	s1 =	sshra.s32 s0, $0x2  }
0xf6: {  	s0 =	sadd.s32 $0x40, s0;
	v2 =	vld [tilespmem:s1+$0x5200];
	[tilespmem:s31+$0x4F80] =	vst v3;
	s31 =	smov.u32 s1  }
0xf7: {  	v3 =	vld [tilespmem:s31+$0x4F80];
	_ =	sdelay $0x4  }
0xf8: {  	v2 =	vadd.f32 v2, v3;
	_ =	sdelay $0x1  }
0xf9: {  	[tilespmem:s31+$0x4F80] =	vst v2  }
0xfa: {  	[tilespmem:s28], [sflag:$0x1] =	stream.strided.gather [spmem:s17], $0x280, s26, s25, $0x38;
	[tilespmem:$0x7C80] =	vst v63  }
0xfb: {  	_ =	swait.ge [sflag:s23], $0x280  }
0xfc: {  	[sflag:s23] =	ssyncset.done $0x0  }
0xfd: {  	s31 =	simm.s32 $0x0;
	[sflag:s23] =	ssyncadd.s32 $0xFFFFFD80  }
0xfe: {  	s0 =	simm.s32 $0x40;
	v2 =	vld [tilespmem:s31+$0x5200]  }
.LBB2_30:
0xff: {  	p0 =	sne.s32 s0, $0x9C0;
	v3 =	vld [tilespmem:s31+$0x4F80];
	_ =	sdelay $0x2  }
.Ltmp14:
0x100: {  	(pc) =	sbr.rel @p0 .LBB2_30-.Ltmp14, $4  }
0x101: {  	_ = 	snop  }
0x102: {  	v3 =	vadd.f32 v2, v3  }
0x103: {  	s1 =	sshra.s32 s0, $0x2  }
0x104: {  	s0 =	sadd.s32 $0x40, s0;
	v2 =	vld [tilespmem:s1+$0x5200];
	[tilespmem:s31+$0x4F80] =	vst v3;
	s31 =	smov.u32 s1  }
0x105: {  	v3 =	vld [tilespmem:s31+$0x4F80];
	_ =	sdelay $0x4  }
0x106: {  	v2 =	vadd.f32 v2, v3;
	_ =	sdelay $0x1  }
0x107: {  	[tilespmem:s31+$0x4F80] =	vst v2  }
0x108: {  	[tilespmem:s28], [sflag:$0x1] =	stream.strided.gather [spmem:s18], $0x280, s26, s25, $0x38;
	[tilespmem:$0x7C80] =	vst v63  }
0x109: {  	_ =	swait.ge [sflag:s23], $0x280  }
0x10a: {  	[sflag:s23] =	ssyncset.done $0x0  }
0x10b: {  	s31 =	simm.s32 $0x0;
	[sflag:s23] =	ssyncadd.s32 $0xFFFFFD80  }
0x10c: {  	s0 =	simm.s32 $0x40;
	v2 =	vld [tilespmem:s31+$0x5200]  }
.LBB2_32:
0x10d: {  	p0 =	sne.s32 s0, $0x9C0;
	v3 =	vld [tilespmem:s31+$0x4F80];
	_ =	sdelay $0x2  }
.Ltmp15:
0x10e: {  	(pc) =	sbr.rel @p0 .LBB2_32-.Ltmp15, $4  }
0x10f: {  	_ = 	snop  }
0x110: {  	v3 =	vadd.f32 v2, v3  }
0x111: {  	s1 =	sshra.s32 s0, $0x2  }
0x112: {  	s0 =	sadd.s32 $0x40, s0;
	v2 =	vld [tilespmem:s1+$0x5200];
	[tilespmem:s31+$0x4F80] =	vst v3;
	s31 =	smov.u32 s1  }
0x113: {  	v3 =	vld [tilespmem:s31+$0x4F80];
	_ =	sdelay $0x4  }
0x114: {  	v2 =	vadd.f32 v2, v3;
	_ =	sdelay $0x1  }
0x115: {  	[tilespmem:s31+$0x4F80] =	vst v2  }
0x116: {  	[tilespmem:s28], [sflag:$0x1] =	stream.strided.gather [spmem:s19], $0x280, s26, s25, $0x38;
	[tilespmem:$0x7C80] =	vst v63  }
0x117: {  	_ =	swait.ge [sflag:s23], $0x280  }
0x118: {  	[sflag:s23] =	ssyncset.done $0x0  }
0x119: {  	s31 =	simm.s32 $0x0;
	[sflag:s23] =	ssyncadd.s32 $0xFFFFFD80  }
0x11a: {  	s0 =	simm.s32 $0x40;
	v2 =	vld [tilespmem:s31+$0x5200]  }
.LBB2_34:
0x11b: {  	p0 =	sne.s32 s0, $0x9C0;
	v3 =	vld [tilespmem:s31+$0x4F80];
	_ =	sdelay $0x2  }
.Ltmp16:
0x11c: {  	(pc) =	sbr.rel @p0 .LBB2_34-.Ltmp16, $4  }
0x11d: {  	_ = 	snop  }
0x11e: {  	v3 =	vadd.f32 v2, v3  }
0x11f: {  	s1 =	sshra.s32 s0, $0x2  }
0x120: {  	s0 =	sadd.s32 $0x40, s0;
	v2 =	vld [tilespmem:s1+$0x5200];
	[tilespmem:s31+$0x4F80] =	vst v3;
	s31 =	smov.u32 s1  }
0x121: {  	v3 =	vld [tilespmem:s31+$0x4F80];
	_ =	sdelay $0x4  }
0x122: {  	v2 =	vadd.f32 v2, v3;
	_ =	sdelay $0x1  }
0x123: {  	[tilespmem:s31+$0x4F80] =	vst v2  }
0x124: {  	[tilespmem:s28], [sflag:$0x1] =	stream.strided.gather [spmem:s20], $0x280, s26, s25, $0x38;
	[tilespmem:$0x7C80] =	vst v63  }
0x125: {  	_ =	swait.ge [sflag:s23], $0x280  }
0x126: {  	[sflag:s23] =	ssyncset.done $0x0  }
0x127: {  	s31 =	simm.s32 $0x0;
	[sflag:s23] =	ssyncadd.s32 $0xFFFFFD80  }
0x128: {  	s0 =	simm.s32 $0x40;
	v2 =	vld [tilespmem:s31+$0x5200]  }
.LBB2_36:
0x129: {  	p0 =	sne.s32 s0, $0x9C0;
	v3 =	vld [tilespmem:s31+$0x4F80];
	_ =	sdelay $0x2  }
.Ltmp17:
0x12a: {  	(pc) =	sbr.rel @p0 .LBB2_36-.Ltmp17, $4  }
0x12b: {  	_ = 	snop  }
0x12c: {  	v3 =	vadd.f32 v2, v3  }
0x12d: {  	s1 =	sshra.s32 s0, $0x2  }
0x12e: {  	s0 =	sadd.s32 $0x40, s0;
	v2 =	vld [tilespmem:s1+$0x5200];
	[tilespmem:s31+$0x4F80] =	vst v3;
	s31 =	smov.u32 s1  }
0x12f: {  	v3 =	vld [tilespmem:s31+$0x4F80];
	_ =	sdelay $0x4  }
0x130: {  	s2 =	sadd.s32 $0x1, s2;
	v2 =	vadd.f32 v2, v3  }
0x131: {  	p0 =	sne.s32 s2, s22  }
.Ltmp18:
0x132: {  	[tilespmem:s31+$0x4F80] =	vst v2;
	(pc) =	sbr.rel @p0 .LBB2_1-.Ltmp18, $4  }
0x133: {  	[hbm4b:s21+s25] =	stream.strided.scatter [tilespmem:s30], [sflag:$0x1], $0x280, s29, s25, $0x38;
	[tilespmem:$0x7C80] =	vst v63  }
0x134: {  	_ =	swait.ge [sflag:s23], $0x280  }
0x135: {  	[sflag:s23] =	ssyncset.done $0x0  }
0x136: {  	[sflag:s23] =	ssyncadd.s32 $0xFFFFFD80  }
0x137: {  	_ =	sfence.sel $0x180000  }
0x138: {  	[bflag:$0x0] =	sbarrier.arrive $0xFFFF  }
0x139: {  	_ =	strace $0x90000047  }
0x13a: {  	s0 =	stileid.u32;
	[bflag:$0x2] =	sbarrier.arrive $0xFFFF  }
0x13b: {  	p0 =	sne.s32 s0, $0x0;
	s0 =	rddreg [dreg:$0x3]  }
0x13c: {  	s0 =	sadd.s32 @!p0 $0x100000, s0  }
0x13d: {  	[sflag:s0] =	ssyncadd.tile.s32 @!p0 $0x1;
	_ =	shalt  }
.Lfunc_end2:
_tile_overlayer_lowered:
.L_overlay_start_2:
0x13e: {  	(tag) =	ssettag $0x2  }
0x13f: {  	s0 =	rddreg [dreg:$0x0];
	s2 =	stileid.u32  }
0x140: {  	s1 =	rddreg [dreg:$0x1];
	p0 =	sne.s32 s2, $0x0  }
0x141: {  	s3 =	rddreg [dreg:$0x2];
	[bflag:$0x3] =	sbarrier.arrive $0xFFFF;
	s2 =	simm.s32 @!p0 $0x1C01  }
0x142: {  	[timem:s3], [sflag:s2] =	dma.local @!p0 [hbm:s0], s1  }
0x143: {  	s0 =	simm.s32 @!p0 $0x1  }
0x144: {  	_ =	swait.ge @!p0 [sflag:s0], s1  }
0x145: {  	s1 =	ssub.s32 @!p0 $0x0, s1;
	[sflag:s0] =	ssyncset.done @!p0 $0x0  }
0x146: {  	[sflag:s0] =	ssyncadd.s32 @!p0 s1  }
0x147: {  	[bflag:$0x3] =	sbarrier.arrive $0xFFFF  }
0x148: {  	_ =	shalt  }

</sc_bundles>
